<compile_context>
chip_gen: v7x
topology: tpu7x:2x2x1
jax: 0.10.2.dev20260603
libtpu: 0.0.44.dev20260713+nightly
codegen_flags: <defaults>
</compile_context>

<pallas_src>
import functools

import jax
import jax.numpy as jnp
from jax import lax
from jax.experimental import pallas as pl
from jax.experimental.pallas import tpu as pltpu
from jax.experimental.pallas import tpu_sc as plsc

NUM_EMB = 1000000
EMB_DIM = 32
INPUT_LEN = 26
HIDDEN = 256
OUT = 1
B = 16384
IN_DIM = INPUT_LEN * EMB_DIM

N_IDX = B * INPUT_LEN
NUM_WORKERS = 32
CHUNK = 512

B_H = B // 2
N_IDX_H = B_H * INPUT_LEN
N_PER_W = N_IDX_H // NUM_WORKERS
N_CHUNKS = N_PER_W // CHUNK

PACK = 128 // EMB_DIM
BI = 128
N_BLOCKS = B_H // (BI * PACK)
HID4 = PACK * HIDDEN


def _sc_gather(x_flat, table):
    mesh = plsc.VectorSubcoreMesh(core_axis_name="c", subcore_axis_name="s")

    @functools.partial(
        pl.kernel,
        mesh=mesh,
        compiler_params=pltpu.CompilerParams(use_tc_tiling_on_sc=False),
        out_type=jax.ShapeDtypeStruct((N_IDX_H, EMB_DIM), jnp.float32),
        scratch_types=[
            pltpu.VMEM((CHUNK,), jnp.int32),
            pltpu.VMEM((CHUNK, EMB_DIM), jnp.float32),
            pltpu.SemaphoreType.DMA,
        ],
    )
    def gather_kernel(x_hbm, table_hbm, out_hbm, idx_v, buf_v, sem):
        wid = lax.axis_index("s") * 2 + lax.axis_index("c")
        base = wid * N_PER_W

        @pl.loop(0, N_CHUNKS)
        def chunk_loop(c):
            off = base + c * CHUNK
            pltpu.sync_copy(x_hbm.at[pl.ds(off, CHUNK)], idx_v)
            pltpu.async_copy(table_hbm.at[idx_v], buf_v, sem).wait()
            pltpu.sync_copy(buf_v, out_hbm.at[pl.ds(off, CHUNK)])

    return gather_kernel(x_flat, table)


def _mlp_kernel(*refs):
    e4_refs = refs[:INPUT_LEN]
    w1e_ref, b1_ref, w2e_ref, b2_ref, out_ref = refs[INPUT_LEN:]
    h = jnp.dot(
        e4_refs[0][...], w1e_ref[0], preferred_element_type=jnp.float32
    )
    for j in range(1, INPUT_LEN):
        h += jnp.dot(
            e4_refs[j][...], w1e_ref[j], preferred_element_type=jnp.float32
        )
    h = jnp.maximum(h + b1_ref[...], 0.0)
    out_ref[...] = (
        jnp.dot(h, w2e_ref[...], preferred_element_type=jnp.float32)
        + b2_ref[0, 0]
    )


def _e4_spec(j):
    return pl.BlockSpec((BI, 128), lambda i, j=j: (j * N_BLOCKS + i, 0))


def _tc_mlp(e4, W1e, b1_4, W2e, b2):
    return pl.pallas_call(
        _mlp_kernel,
        grid=(N_BLOCKS,),
        in_specs=[_e4_spec(j) for j in range(INPUT_LEN)]
        + [
            pl.BlockSpec((INPUT_LEN, 128, HID4), lambda i: (0, 0, 0)),
            pl.BlockSpec((1, HID4), lambda i: (0, 0)),
            pl.BlockSpec((HID4, PACK), lambda i: (0, 0)),
            pl.BlockSpec((1, 1), lambda i: (0, 0)),
        ],
        out_specs=pl.BlockSpec((BI, PACK), lambda i: (i, 0)),
        out_shape=jax.ShapeDtypeStruct((B_H // PACK, PACK), jnp.float32),
    )(*([e4] * INPUT_LEN), W1e, b1_4, W2e, b2)


REPACK_ROWS = 4096
REPACK_COLS = REPACK_ROWS * PACK
REPACK_GRID = 61
MAIN_EMB = REPACK_GRID * REPACK_COLS
TAIL_EMB = NUM_EMB - MAIN_EMB
TAIL_PACKED = TAIL_EMB // PACK
N_PACKED = NUM_EMB // PACK


def _repack_kernel(t0, t1, t2, t3, out_ref):
    out_ref[...] = jnp.concatenate(
        [t0[...].T, t1[...].T, t2[...].T, t3[...].T], axis=1
    )


def _q_spec(q):
    return pl.BlockSpec(
        (EMB_DIM, REPACK_ROWS), lambda i, q=q: (0, PACK * i + q)
    )


def _tail_kernel(v_ref, big_ref, out_ref):
    del big_ref
    out_ref[...] = v_ref[...]


def _tc_repack(tableT):
    main = pl.pallas_call(
        _repack_kernel,
        grid=(REPACK_GRID,),
        in_specs=[_q_spec(q) for q in range(PACK)],
        out_specs=pl.BlockSpec((REPACK_ROWS, 128), lambda i: (i, 0)),
        out_shape=jax.ShapeDtypeStruct((N_PACKED, 128), jnp.float32),
    )(*([tableT] * PACK))
    v = tableT[:, MAIN_EMB:].T.reshape(TAIL_PACKED, 128)
    return pl.pallas_call(
        _tail_kernel,
        grid=(TAIL_PACKED // 16,),
        in_specs=[
            pl.BlockSpec((16, 128), lambda i: (i, 0)),
            pl.BlockSpec(memory_space=pl.ANY),
        ],
        out_specs=pl.BlockSpec((16, 128), lambda i: (MAIN_EMB // 64 + i, 0)),
        out_shape=jax.ShapeDtypeStruct((N_PACKED, 128), jnp.float32),
        input_output_aliases={1: 0},
    )(v, main)


def kernel(x, table, W1, b1, W2, b2):
    t4 = _tc_repack(table.T)
    table_rm = t4.reshape(NUM_EMB, EMB_DIM)

    eye = jnp.eye(PACK, dtype=jnp.float32)
    W1r = W1.reshape(INPUT_LEN, EMB_DIM, HIDDEN)
    W1e = jnp.einsum("jth,qp->jqtph", W1r, eye).reshape(
        INPUT_LEN, 128, HID4
    )
    W2e = jnp.einsum("h,qp->qhp", W2[:, 0], eye).reshape(HID4, PACK)
    b1_4 = jnp.tile(b1, PACK).reshape(1, HID4)
    b2s = b2.reshape(1, 1)

    xT = x.T
    outs = []
    for hh in range(2):
        x_flat = xT[:, hh * B_H:(hh + 1) * B_H].reshape(-1)
        k = x_flat // REPACK_COLS
        rem = x_flat - k * REPACK_COLS
        q = rem // REPACK_ROWS
        r_in = rem - q * REPACK_ROWS
        pidx = PACK * (REPACK_ROWS * k + r_in) + q
        pidx = jnp.where(x_flat >= MAIN_EMB, x_flat, pidx)
        rows = _sc_gather(pidx, table_rm)
        e4 = rows.reshape(N_IDX_H // PACK, 128)
        outs.append(_tc_mlp(e4, W1e, b1_4, W2e, b2s))

    return jnp.concatenate(outs, axis=0).reshape(B, OUT)

# --- scband reference (transcript-rebuilt; emitter-appended) ---
"""Pipeline reference for scband-mlpbase-27419071218040 (READ-ONLY COPY).

The authoritative reference and input builder live on the scoring server;
editing this copy changes nothing except your own understanding.
"""

import jax, jax.numpy as jnp
import numpy as np

NUM_EMB = 1000000
EMB_DIM = 32
INPUT_LEN = 26
HIDDEN = 256
OUT = 1
B = 16384


def setup_inputs(seed: int = 0) -> dict:
    key = jax.random.key(seed)
    k1, k2, k3, k4, k5, k6 = jax.random.split(key, 6)
    x = jax.random.randint(k1, (B, INPUT_LEN), 0, NUM_EMB, dtype=jnp.int64 if jax.config.jax_enable_x64 else jnp.int32).astype(jnp.int32)
    table = jax.random.normal(k2, (NUM_EMB, EMB_DIM), dtype=jnp.float32)
    in_dim = INPUT_LEN * EMB_DIM
    W1 = jax.random.normal(k3, (in_dim, HIDDEN), dtype=jnp.float32) * (1.0 / np.sqrt(in_dim))
    b1 = jnp.zeros((HIDDEN,), dtype=jnp.float32)
    W2 = jax.random.normal(k4, (HIDDEN, OUT), dtype=jnp.float32) * (1.0 / np.sqrt(HIDDEN))
    b2 = jnp.zeros((OUT,), dtype=jnp.float32)
    return {"x": x, "table": table, "W1": W1, "b1": b1, "W2": W2, "b2": b2}


def reference(x, table, W1, b1, W2, b2):
    # embedding lookup: gather rows from table
    emb = jnp.take(table, x, axis=0)  # [B, INPUT_LEN, EMB_DIM]
    Bn = emb.shape[0]
    flat = emb.reshape(Bn, -1)  # [B, INPUT_LEN*EMB_DIM]
    # FeedForward: num_layers=2 -> Linear(in, hidden) + relu + Linear(hidden, out)
    h = jnp.dot(flat, W1) + b1
    h = jax.nn.relu(h)
    out = jnp.dot(h, W2) + b2
    return out

if __name__ == "__main__":
    import jax
    _d = setup_inputs()
    print(jax.jit(kernel)(*tuple(_d.values())))

</pallas_src>

<mosaic_0001>
#map = affine_map<(d0, d1) -> (0)>
#map1 = affine_map<(d0, d1) -> (0, 0)>
module attributes {stable_mosaic.version = 14 : i64} {
  func.func @gather_kernel(%arg0: i32, %arg1: i32, %arg2: memref<212992xi32, #tpu.memory_space<hbm>>, %arg3: memref<1000000x32xf32, #tpu.memory_space<hbm>>, %arg4: memref<212992x32xf32, #tpu.memory_space<hbm>>, %arg5: memref<512xi32, #tpu.memory_space<vmem>>, %arg6: memref<512x32xf32, #tpu.memory_space<vmem>>, %arg7: memref<!tpu.dma_semaphore, #tpu.memory_space<semaphore_mem>>) attributes {dimension_semantics = [#tpu.dimension_semantics<core_parallel>, #tpu.dimension_semantics<subcore_parallel>], iteration_bounds = array<i64: 2, 16>, scalar_prefetch = 0 : i64, scratch_operands = 3 : i64, tpu.core_type = #tpu.core_type<sc_vector_subcore>, window_params = [{transform_indices = #map}, {transform_indices = #map1}, {transform_indices = #map1}]} {
    %mul3A = arith.constant 2 : i32
    %mul3A_0 = arith.muli %arg1, %mul3A : i32
    %add3A = arith.addi %mul3A_0, %arg0 : i32
    %mul3A_1 = arith.constant 6656 : i32
    %mul3A_2 = arith.muli %add3A, %mul3A_1 : i32
    %scan3A = arith.constant 0 : i32
    %scan3A_3 = arith.constant 13 : i32
    %scan3A_4 = arith.addi %scan3A, %scan3A_3 : i32
    %scan3A_5 = arith.constant 1 : i32
    scf.for %scan3A_7 = %scan3A to %scan3A_4 step %scan3A_5  : i32 {
      %mul3A_8 = arith.constant 1 : i32
      %mul3A_9 = arith.muli %scan3A_7, %mul3A_8 : i32
      %add3A_10 = arith.constant 0 : i32
      %add3A_11 = arith.addi %add3A_10, %mul3A_9 : i32
      %mul3A_12 = arith.constant 512 : i32
      %mul3A_13 = arith.muli %add3A_11, %mul3A_12 : i32
      %add3A_14 = arith.addi %mul3A_2, %mul3A_13 : i32
      "tpu.region"() ({
        %run_scoped3A = tpu.sem_alloc : memref<!tpu.dma_semaphore, #tpu.memory_space<semaphore_mem>>
        %dma_start3A_19 = tpu.memref_slice %arg2[%add3A_14] : memref<212992xi32, #tpu.memory_space<hbm>> -> memref<512xi32, #tpu.memory_space<hbm>>
        %dma_start3A_20 = tpu.memref_slice %arg2[%add3A_14] : memref<212992xi32, #tpu.memory_space<hbm>> -> memref<512xi32, #tpu.memory_space<hbm>>
        tpu.enqueue_dma source(%dma_start3A_20 : memref<512xi32, #tpu.memory_space<hbm>>) target(%arg5 : memref<512xi32, #tpu.memory_space<vmem>>) target_semaphore(%run_scoped3A : memref<!tpu.dma_semaphore, #tpu.memory_space<semaphore_mem>>)
        %dma_wait3A_21 = tpu.memref_slice %arg2[%add3A_14] : memref<212992xi32, #tpu.memory_space<hbm>> -> memref<512xi32, #tpu.memory_space<hbm>>
        %dma_wait3A_22 = tpu.memref_slice %arg2[%add3A_14] : memref<212992xi32, #tpu.memory_space<hbm>> -> memref<512xi32, #tpu.memory_space<hbm>>
        tpu.wait_dma2 semaphore(%run_scoped3A : memref<!tpu.dma_semaphore, #tpu.memory_space<semaphore_mem>>) src(%dma_wait3A_22 : memref<512xi32, #tpu.memory_space<hbm>>) dst(%arg5 : memref<512xi32, #tpu.memory_space<vmem>>)
        tpu.yield
      }) : () -> ()
      %dma_start3A = arith.constant 0 : i32
      %dma_start3A_15 = arith.constant 0 : i32
      %dma_start3A_16 = tpu.memref_slice %arg3[%dma_start3A, %dma_start3A_15] : memref<1000000x32xf32, #tpu.memory_space<hbm>> -> memref<1000000x32xf32, #tpu.memory_space<hbm>>
      tpu.enqueue_indirect_dma source(%dma_start3A_16 : memref<1000000x32xf32, #tpu.memory_space<hbm>>) target(%arg6 : memref<512x32xf32, #tpu.memory_space<vmem>>) offsets(%arg5 : memref<512xi32, #tpu.memory_space<vmem>>) semaphore(%arg7 : memref<!tpu.dma_semaphore, #tpu.memory_space<semaphore_mem>>)
      %dma_wait3A = arith.constant 0 : i32
      %dma_wait3A_17 = arith.constant 0 : i32
      %dma_wait3A_18 = tpu.memref_slice %arg3[%dma_wait3A, %dma_wait3A_17] : memref<1000000x32xf32, #tpu.memory_space<hbm>> -> memref<1000000x32xf32, #tpu.memory_space<hbm>>
      tpu.wait_indirect_dma semaphore(%arg7 : memref<!tpu.dma_semaphore, #tpu.memory_space<semaphore_mem>>) src(%dma_wait3A_18 : memref<1000000x32xf32, #tpu.memory_space<hbm>>) dst(%arg6 : memref<512x32xf32, #tpu.memory_space<vmem>>)
      "tpu.region"() ({
        %run_scoped3A = tpu.sem_alloc : memref<!tpu.dma_semaphore, #tpu.memory_space<semaphore_mem>>
        %dma_start3A_19 = arith.constant 0 : i32
        %dma_start3A_20 = tpu.memref_slice %arg4[%add3A_14, %dma_start3A_19] : memref<212992x32xf32, #tpu.memory_space<hbm>> -> memref<512x32xf32, #tpu.memory_space<hbm>>
        %dma_start3A_21 = arith.constant 0 : i32
        %dma_start3A_22 = tpu.memref_slice %arg4[%add3A_14, %dma_start3A_21] : memref<212992x32xf32, #tpu.memory_space<hbm>> -> memref<512x32xf32, #tpu.memory_space<hbm>>
        tpu.enqueue_dma source(%arg6 : memref<512x32xf32, #tpu.memory_space<vmem>>) target(%dma_start3A_22 : memref<512x32xf32, #tpu.memory_space<hbm>>) target_semaphore(%run_scoped3A : memref<!tpu.dma_semaphore, #tpu.memory_space<semaphore_mem>>)
        %dma_wait3A_23 = arith.constant 0 : i32
        %dma_wait3A_24 = tpu.memref_slice %arg4[%add3A_14, %dma_wait3A_23] : memref<212992x32xf32, #tpu.memory_space<hbm>> -> memref<512x32xf32, #tpu.memory_space<hbm>>
        %dma_wait3A_25 = arith.constant 0 : i32
        %dma_wait3A_26 = tpu.memref_slice %arg4[%add3A_14, %dma_wait3A_25] : memref<212992x32xf32, #tpu.memory_space<hbm>> -> memref<512x32xf32, #tpu.memory_space<hbm>>
        tpu.wait_dma2 semaphore(%run_scoped3A : memref<!tpu.dma_semaphore, #tpu.memory_space<semaphore_mem>>) src(%arg6 : memref<512x32xf32, #tpu.memory_space<vmem>>) dst(%dma_wait3A_26 : memref<512x32xf32, #tpu.memory_space<hbm>>)
        tpu.yield
      }) : () -> ()
    }
    %scan3A_6 = arith.constant 13 : i32
    return
  }
}

#map = affine_map<(d0, d1) -> (0)>
#map1 = affine_map<(d0, d1) -> (0, 0)>
module attributes {stable_mosaic.version = 14 : i64} {
  func.func @gather_kernel(%arg0: i32, %arg1: i32, %arg2: memref<212992xi32, #tpu.memory_space<hbm>>, %arg3: memref<1000000x32xf32, #tpu.memory_space<hbm>>, %arg4: memref<212992x32xf32, #tpu.memory_space<hbm>>, %arg5: memref<512xi32, #tpu.memory_space<vmem>>, %arg6: memref<512x32xf32, #tpu.memory_space<vmem>>, %arg7: memref<!tpu.dma_semaphore, #tpu.memory_space<semaphore_mem>>) attributes {dimension_semantics = [#tpu.dimension_semantics<core_parallel>, #tpu.dimension_semantics<subcore_parallel>], iteration_bounds = array<i64: 2, 16>, scalar_prefetch = 0 : i64, scratch_operands = 3 : i64, tpu.core_type = #tpu.core_type<sc_vector_subcore>, window_params = [{transform_indices = #map}, {transform_indices = #map1}, {transform_indices = #map1}]} {
    %mul3A = arith.constant 2 : i32
    %mul3A_0 = arith.muli %arg1, %mul3A : i32
    %add3A = arith.addi %mul3A_0, %arg0 : i32
    %mul3A_1 = arith.constant 6656 : i32
    %mul3A_2 = arith.muli %add3A, %mul3A_1 : i32
    %scan3A = arith.constant 0 : i32
    %scan3A_3 = arith.constant 13 : i32
    %scan3A_4 = arith.addi %scan3A, %scan3A_3 : i32
    %scan3A_5 = arith.constant 1 : i32
    scf.for %scan3A_7 = %scan3A to %scan3A_4 step %scan3A_5  : i32 {
      %mul3A_8 = arith.constant 1 : i32
      %mul3A_9 = arith.muli %scan3A_7, %mul3A_8 : i32
      %add3A_10 = arith.constant 0 : i32
      %add3A_11 = arith.addi %add3A_10, %mul3A_9 : i32
      %mul3A_12 = arith.constant 512 : i32
      %mul3A_13 = arith.muli %add3A_11, %mul3A_12 : i32
      %add3A_14 = arith.addi %mul3A_2, %mul3A_13 : i32
      "tpu.region"() ({
        %run_scoped3A = tpu.sem_alloc : memref<!tpu.dma_semaphore, #tpu.memory_space<semaphore_mem>>
        %dma_start3A_19 = tpu.memref_slice %arg2[%add3A_14] : memref<212992xi32, #tpu.memory_space<hbm>> -> memref<512xi32, #tpu.memory_space<hbm>>
        %dma_start3A_20 = tpu.memref_slice %arg2[%add3A_14] : memref<212992xi32, #tpu.memory_space<hbm>> -> memref<512xi32, #tpu.memory_space<hbm>>
        tpu.enqueue_dma source(%dma_start3A_20 : memref<512xi32, #tpu.memory_space<hbm>>) target(%arg5 : memref<512xi32, #tpu.memory_space<vmem>>) target_semaphore(%run_scoped3A : memref<!tpu.dma_semaphore, #tpu.memory_space<semaphore_mem>>)
        %dma_wait3A_21 = tpu.memref_slice %arg2[%add3A_14] : memref<212992xi32, #tpu.memory_space<hbm>> -> memref<512xi32, #tpu.memory_space<hbm>>
        %dma_wait3A_22 = tpu.memref_slice %arg2[%add3A_14] : memref<212992xi32, #tpu.memory_space<hbm>> -> memref<512xi32, #tpu.memory_space<hbm>>
        tpu.wait_dma2 semaphore(%run_scoped3A : memref<!tpu.dma_semaphore, #tpu.memory_space<semaphore_mem>>) src(%dma_wait3A_22 : memref<512xi32, #tpu.memory_space<hbm>>) dst(%arg5 : memref<512xi32, #tpu.memory_space<vmem>>)
        tpu.yield
      }) : () -> ()
      %dma_start3A = arith.constant 0 : i32
      %dma_start3A_15 = arith.constant 0 : i32
      %dma_start3A_16 = tpu.memref_slice %arg3[%dma_start3A, %dma_start3A_15] : memref<1000000x32xf32, #tpu.memory_space<hbm>> -> memref<1000000x32xf32, #tpu.memory_space<hbm>>
      tpu.enqueue_indirect_dma source(%dma_start3A_16 : memref<1000000x32xf32, #tpu.memory_space<hbm>>) target(%arg6 : memref<512x32xf32, #tpu.memory_space<vmem>>) offsets(%arg5 : memref<512xi32, #tpu.memory_space<vmem>>) semaphore(%arg7 : memref<!tpu.dma_semaphore, #tpu.memory_space<semaphore_mem>>)
      %dma_wait3A = arith.constant 0 : i32
      %dma_wait3A_17 = arith.constant 0 : i32
      %dma_wait3A_18 = tpu.memref_slice %arg3[%dma_wait3A, %dma_wait3A_17] : memref<1000000x32xf32, #tpu.memory_space<hbm>> -> memref<1000000x32xf32, #tpu.memory_space<hbm>>
      tpu.wait_indirect_dma semaphore(%arg7 : memref<!tpu.dma_semaphore, #tpu.memory_space<semaphore_mem>>) src(%dma_wait3A_18 : memref<1000000x32xf32, #tpu.memory_space<hbm>>) dst(%arg6 : memref<512x32xf32, #tpu.memory_space<vmem>>)
      "tpu.region"() ({
        %run_scoped3A = tpu.sem_alloc : memref<!tpu.dma_semaphore, #tpu.memory_space<semaphore_mem>>
        %dma_start3A_19 = arith.constant 0 : i32
        %dma_start3A_20 = tpu.memref_slice %arg4[%add3A_14, %dma_start3A_19] : memref<212992x32xf32, #tpu.memory_space<hbm>> -> memref<512x32xf32, #tpu.memory_space<hbm>>
        %dma_start3A_21 = arith.constant 0 : i32
        %dma_start3A_22 = tpu.memref_slice %arg4[%add3A_14, %dma_start3A_21] : memref<212992x32xf32, #tpu.memory_space<hbm>> -> memref<512x32xf32, #tpu.memory_space<hbm>>
        tpu.enqueue_dma source(%arg6 : memref<512x32xf32, #tpu.memory_space<vmem>>) target(%dma_start3A_22 : memref<512x32xf32, #tpu.memory_space<hbm>>) target_semaphore(%run_scoped3A : memref<!tpu.dma_semaphore, #tpu.memory_space<semaphore_mem>>)
        %dma_wait3A_23 = arith.constant 0 : i32
        %dma_wait3A_24 = tpu.memref_slice %arg4[%add3A_14, %dma_wait3A_23] : memref<212992x32xf32, #tpu.memory_space<hbm>> -> memref<512x32xf32, #tpu.memory_space<hbm>>
        %dma_wait3A_25 = arith.constant 0 : i32
        %dma_wait3A_26 = tpu.memref_slice %arg4[%add3A_14, %dma_wait3A_25] : memref<212992x32xf32, #tpu.memory_space<hbm>> -> memref<512x32xf32, #tpu.memory_space<hbm>>
        tpu.wait_dma2 semaphore(%run_scoped3A : memref<!tpu.dma_semaphore, #tpu.memory_space<semaphore_mem>>) src(%arg6 : memref<512x32xf32, #tpu.memory_space<vmem>>) dst(%dma_wait3A_26 : memref<512x32xf32, #tpu.memory_space<hbm>>)
        tpu.yield
      }) : () -> ()
    }
    %scan3A_6 = arith.constant 13 : i32
    return
  }
}

module attributes {stable_mosaic.version = 14 : i64} {
  func.func @_repack_kernel(%arg0: i32, %arg1: memref<32x4096xf32, #tpu.memory_space<vmem>>, %arg2: memref<32x4096xf32, #tpu.memory_space<vmem>>, %arg3: memref<32x4096xf32, #tpu.memory_space<vmem>>, %arg4: memref<32x4096xf32, #tpu.memory_space<vmem>>, %arg5: memref<4096x128xf32, #tpu.memory_space<vmem>>) attributes {dimension_semantics = [#tpu.dimension_semantics<arbitrary>], iteration_bounds = array<i64: 61>, scalar_prefetch = 0 : i64, scratch_operands = 0 : i64, tpu.core_type = #tpu.core_type<tc>, window_params = [{transform_indices = @transform_0, window_bounds = array<i64: 32, 4096>}, {transform_indices = @transform_1, window_bounds = array<i64: 32, 4096>}, {transform_indices = @transform_2, window_bounds = array<i64: 32, 4096>}, {transform_indices = @transform_3, window_bounds = array<i64: 32, 4096>}, {transform_indices = @transform_4, window_bounds = array<i64: 4096, 128>}]} {
    %get3A = arith.constant 0 : index
    %get3A_0 = arith.constant 0 : index
    %get3A_1 = vector.load %arg1[%get3A, %get3A_0] : memref<32x4096xf32, #tpu.memory_space<vmem>>, vector<32x4096xf32>
    %transpose3A = tpu.transpose %get3A_1, [1, 0] : vector<32x4096xf32> -> vector<4096x32xf32>
    %get3A_2 = arith.constant 0 : index
    %get3A_3 = arith.constant 0 : index
    %get3A_4 = vector.load %arg2[%get3A_2, %get3A_3] : memref<32x4096xf32, #tpu.memory_space<vmem>>, vector<32x4096xf32>
    %transpose3A_5 = tpu.transpose %get3A_4, [1, 0] : vector<32x4096xf32> -> vector<4096x32xf32>
    %get3A_6 = arith.constant 0 : index
    %get3A_7 = arith.constant 0 : index
    %get3A_8 = vector.load %arg3[%get3A_6, %get3A_7] : memref<32x4096xf32, #tpu.memory_space<vmem>>, vector<32x4096xf32>
    %transpose3A_9 = tpu.transpose %get3A_8, [1, 0] : vector<32x4096xf32> -> vector<4096x32xf32>
    %get3A_10 = arith.constant 0 : index
    %get3A_11 = arith.constant 0 : index
    %get3A_12 = vector.load %arg4[%get3A_10, %get3A_11] : memref<32x4096xf32, #tpu.memory_space<vmem>>, vector<32x4096xf32>
    %transpose3A_13 = tpu.transpose %get3A_12, [1, 0] : vector<32x4096xf32> -> vector<4096x32xf32>
    %concatenate3A = tpu.concatenate %transpose3A, %transpose3A_5, %transpose3A_9, %transpose3A_13 in 1 : vector<4096x32xf32>, vector<4096x32xf32>, vector<4096x32xf32>, vector<4096x32xf32> -> vector<4096x128xf32>
    %swap3A = arith.constant 0 : index
    %swap3A_14 = arith.constant 0 : index
    %swap3A_15 = vector.load %arg5[%swap3A, %swap3A_14] : memref<4096x128xf32, #tpu.memory_space<vmem>>, vector<4096x128xf32>
    tpu.vector_store %arg5[%swap3A, %swap3A_14], %concatenate3A {strides = array<i32>} : memref<4096x128xf32, #tpu.memory_space<vmem>>, vector<4096x128xf32>,
    return
  }
  func.func @transform_0(%arg0: i32) -> (i32, i32) {
    %mul3A = arith.constant 4 : i32
    %mul3A_0 = arith.muli %mul3A, %arg0 : i32
    %add3A = arith.constant 0 : i32
    %add3A_1 = arith.addi %mul3A_0, %add3A : i32
    %c0_i32 = arith.constant 0 : i32
    %c0_i32_2 = arith.constant 0 : i32
    return %c0_i32, %add3A_1 : i32, i32
  }
  func.func @transform_1(%arg0: i32) -> (i32, i32) {
    %mul3A = arith.constant 4 : i32
    %mul3A_0 = arith.muli %mul3A, %arg0 : i32
    %add3A = arith.constant 1 : i32
    %add3A_1 = arith.addi %mul3A_0, %add3A : i32
    %c0_i32 = arith.constant 0 : i32
    %c0_i32_2 = arith.constant 0 : i32
    return %c0_i32, %add3A_1 : i32, i32
  }
  func.func @transform_2(%arg0: i32) -> (i32, i32) {
    %mul3A = arith.constant 4 : i32
    %mul3A_0 = arith.muli %mul3A, %arg0 : i32
    %add3A = arith.constant 2 : i32
    %add3A_1 = arith.addi %mul3A_0, %add3A : i32
    %c0_i32 = arith.constant 0 : i32
    %c0_i32_2 = arith.constant 0 : i32
    return %c0_i32, %add3A_1 : i32, i32
  }
  func.func @transform_3(%arg0: i32) -> (i32, i32) {
    %mul3A = arith.constant 4 : i32
    %mul3A_0 = arith.muli %mul3A, %arg0 : i32
    %add3A = arith.constant 3 : i32
    %add3A_1 = arith.addi %mul3A_0, %add3A : i32
    %c0_i32 = arith.constant 0 : i32
    %c0_i32_2 = arith.constant 0 : i32
    return %c0_i32, %add3A_1 : i32, i32
  }
  func.func @transform_4(%arg0: i32) -> (i32, i32) {
    %c0_i32 = arith.constant 0 : i32
    %c0_i32_0 = arith.constant 0 : i32
    return %arg0, %c0_i32 : i32, i32
  }
}

module attributes {stable_mosaic.version = 14 : i64} {
  func.func @_tail_kernel(%arg0: i32, %arg1: memref<16x128xf32, #tpu.memory_space<vmem>>, %arg2: memref<250000x128xf32, #tpu.memory_space<any>>, %arg3: memref<16x128xf32, #tpu.memory_space<vmem>>) attributes {dimension_semantics = [#tpu.dimension_semantics<arbitrary>], iteration_bounds = array<i64: 9>, scalar_prefetch = 0 : i64, scratch_operands = 0 : i64, tpu.core_type = #tpu.core_type<tc>, window_params = [{transform_indices = @transform_0, window_bounds = array<i64: 16, 128>}, {}, {transform_indices = @transform_2, window_bounds = array<i64: 16, 128>}]} {
    %get3A = arith.constant 0 : index
    %get3A_0 = arith.constant 0 : index
    %get3A_1 = vector.load %arg1[%get3A, %get3A_0] : memref<16x128xf32, #tpu.memory_space<vmem>>, vector<16x128xf32>
    %swap3A = arith.constant 0 : index
    %swap3A_2 = arith.constant 0 : index
    %swap3A_3 = vector.load %arg3[%swap3A, %swap3A_2] : memref<16x128xf32, #tpu.memory_space<vmem>>, vector<16x128xf32>
    tpu.vector_store %arg3[%swap3A, %swap3A_2], %get3A_1 {strides = array<i32>} : memref<16x128xf32, #tpu.memory_space<vmem>>, vector<16x128xf32>,
    return
  }
  func.func @transform_0(%arg0: i32) -> (i32, i32) {
    %c0_i32 = arith.constant 0 : i32
    %c0_i32_0 = arith.constant 0 : i32
    return %arg0, %c0_i32 : i32, i32
  }
  func.func @transform_2(%arg0: i32) -> (i32, i32) {
    %add3A = arith.constant 15616 : i32
    %add3A_0 = arith.addi %add3A, %arg0 : i32
    %c0_i32 = arith.constant 0 : i32
    %c0_i32_1 = arith.constant 0 : i32
    return %add3A_0, %c0_i32 : i32, i32
  }
}

module attributes {stable_mosaic.version = 14 : i64} {
  func.func @_mlp_kernel(%arg0: i32, %arg1: memref<128x128xf32, #tpu.memory_space<vmem>>, %arg2: memref<128x128xf32, #tpu.memory_space<vmem>>, %arg3: memref<128x128xf32, #tpu.memory_space<vmem>>, %arg4: memref<128x128xf32, #tpu.memory_space<vmem>>, %arg5: memref<128x128xf32, #tpu.memory_space<vmem>>, %arg6: memref<128x128xf32, #tpu.memory_space<vmem>>, %arg7: memref<128x128xf32, #tpu.memory_space<vmem>>, %arg8: memref<128x128xf32, #tpu.memory_space<vmem>>, %arg9: memref<128x128xf32, #tpu.memory_space<vmem>>, %arg10: memref<128x128xf32, #tpu.memory_space<vmem>>, %arg11: memref<128x128xf32, #tpu.memory_space<vmem>>, %arg12: memref<128x128xf32, #tpu.memory_space<vmem>>, %arg13: memref<128x128xf32, #tpu.memory_space<vmem>>, %arg14: memref<128x128xf32, #tpu.memory_space<vmem>>, %arg15: memref<128x128xf32, #tpu.memory_space<vmem>>, %arg16: memref<128x128xf32, #tpu.memory_space<vmem>>, %arg17: memref<128x128xf32, #tpu.memory_space<vmem>>, %arg18: memref<128x128xf32, #tpu.memory_space<vmem>>, %arg19: memref<128x128xf32, #tpu.memory_space<vmem>>, %arg20: memref<128x128xf32, #tpu.memory_space<vmem>>, %arg21: memref<128x128xf32, #tpu.memory_space<vmem>>, %arg22: memref<128x128xf32, #tpu.memory_space<vmem>>, %arg23: memref<128x128xf32, #tpu.memory_space<vmem>>, %arg24: memref<128x128xf32, #tpu.memory_space<vmem>>, %arg25: memref<128x128xf32, #tpu.memory_space<vmem>>, %arg26: memref<128x128xf32, #tpu.memory_space<vmem>>, %arg27: memref<26x128x1024xf32, #tpu.memory_space<vmem>>, %arg28: memref<1x1024xf32, #tpu.memory_space<vmem>>, %arg29: memref<1024x4xf32, #tpu.memory_space<vmem>>, %arg30: memref<1x1xf32, #tpu.memory_space<vmem>>, %arg31: memref<128x4xf32, #tpu.memory_space<vmem>>) attributes {dimension_semantics = [#tpu.dimension_semantics<arbitrary>], iteration_bounds = array<i64: 16>, scalar_prefetch = 0 : i64, scratch_operands = 0 : i64, tpu.core_type = #tpu.core_type<tc>, window_params = [{transform_indices = @transform_0, window_bounds = array<i64: 128, 128>}, {transform_indices = @transform_1, window_bounds = array<i64: 128, 128>}, {transform_indices = @transform_2, window_bounds = array<i64: 128, 128>}, {transform_indices = @transform_3, window_bounds = array<i64: 128, 128>}, {transform_indices = @transform_4, window_bounds = array<i64: 128, 128>}, {transform_indices = @transform_5, window_bounds = array<i64: 128, 128>}, {transform_indices = @transform_6, window_bounds = array<i64: 128, 128>}, {transform_indices = @transform_7, window_bounds = array<i64: 128, 128>}, {transform_indices = @transform_8, window_bounds = array<i64: 128, 128>}, {transform_indices = @transform_9, window_bounds = array<i64: 128, 128>}, {transform_indices = @transform_10, window_bounds = array<i64: 128, 128>}, {transform_indices = @transform_11, window_bounds = array<i64: 128, 128>}, {transform_indices = @transform_12, window_bounds = array<i64: 128, 128>}, {transform_indices = @transform_13, window_bounds = array<i64: 128, 128>}, {transform_indices = @transform_14, window_bounds = array<i64: 128, 128>}, {transform_indices = @transform_15, window_bounds = array<i64: 128, 128>}, {transform_indices = @transform_16, window_bounds = array<i64: 128, 128>}, {transform_indices = @transform_17, window_bounds = array<i64: 128, 128>}, {transform_indices = @transform_18, window_bounds = array<i64: 128, 128>}, {transform_indices = @transform_19, window_bounds = array<i64: 128, 128>}, {transform_indices = @transform_20, window_bounds = array<i64: 128, 128>}, {transform_indices = @transform_21, window_bounds = array<i64: 128, 128>}, {transform_indices = @transform_22, window_bounds = array<i64: 128, 128>}, {transform_indices = @transform_23, window_bounds = array<i64: 128, 128>}, {transform_indices = @transform_24, window_bounds = array<i64: 128, 128>}, {transform_indices = @transform_25, window_bounds = array<i64: 128, 128>}, {pipeline_mode = #tpu.pipeline_mode<synchronous>, transform_indices = @transform_26, window_bounds = array<i64: 26, 128, 1024>}, {pipeline_mode = #tpu.pipeline_mode<synchronous>, transform_indices = @transform_27, window_bounds = array<i64: 1, 1024>}, {pipeline_mode = #tpu.pipeline_mode<synchronous>, transform_indices = @transform_28, window_bounds = array<i64: 1024, 4>}, {pipeline_mode = #tpu.pipeline_mode<synchronous>, transform_indices = @transform_29, window_bounds = array<i64: 1, 1>}, {transform_indices = @transform_30, window_bounds = array<i64: 128, 4>}]} {
    %get3A = arith.constant 0 : index
    %get3A_0 = arith.constant 0 : index
    %get3A_1 = vector.load %arg1[%get3A, %get3A_0] : memref<128x128xf32, #tpu.memory_space<vmem>>, vector<128x128xf32>
    %get3A_2 = arith.constant 0 : index
    %get3A_3 = arith.constant 0 : index
    %get3A_4 = arith.constant 0 : index
    %get3A_5 = vector.load %arg27[%get3A_2, %get3A_3, %get3A_4] : memref<26x128x1024xf32, #tpu.memory_space<vmem>>, vector<1x128x1024xf32>
    %get3A_6 = vector.shape_cast %get3A_5 : vector<1x128x1024xf32> to vector<128x1024xf32>
    %dot_general3A = arith.constant dense<0.000000e+00> : vector<128x1024xf32>
    %dot_general3A_7 = tpu.matmul %get3A_1, %get3A_6, %dot_general3A {dimension_numbers = #tpu.dot_dimension_numbers<[1], [0], [0], [1], [0, 0, 1, 1], [], []>, transpose_lhs_hint = false} : vector<128x128xf32>, vector<128x1024xf32>, vector<128x1024xf32> -> vector<128x1024xf32>
    %get3A_8 = arith.constant 0 : index
    %get3A_9 = arith.constant 0 : index
    %get3A_10 = vector.load %arg2[%get3A_8, %get3A_9] : memref<128x128xf32, #tpu.memory_space<vmem>>, vector<128x128xf32>
    %get3A_11 = arith.constant 1 : index
    %get3A_12 = arith.constant 0 : index
    %get3A_13 = arith.constant 0 : index
    %get3A_14 = vector.load %arg27[%get3A_11, %get3A_12, %get3A_13] : memref<26x128x1024xf32, #tpu.memory_space<vmem>>, vector<1x128x1024xf32>
    %get3A_15 = vector.shape_cast %get3A_14 : vector<1x128x1024xf32> to vector<128x1024xf32>
    %dot_general3A_16 = arith.constant dense<0.000000e+00> : vector<128x1024xf32>
    %dot_general3A_17 = tpu.matmul %get3A_10, %get3A_15, %dot_general3A_16 {dimension_numbers = #tpu.dot_dimension_numbers<[1], [0], [0], [1], [0, 0, 1, 1], [], []>, transpose_lhs_hint = false} : vector<128x128xf32>, vector<128x1024xf32>, vector<128x1024xf32> -> vector<128x1024xf32>
    %add3A = arith.addf %dot_general3A_7, %dot_general3A_17 : vector<128x1024xf32>
    %get3A_18 = arith.constant 0 : index
    %get3A_19 = arith.constant 0 : index
    %get3A_20 = vector.load %arg3[%get3A_18, %get3A_19] : memref<128x128xf32, #tpu.memory_space<vmem>>, vector<128x128xf32>
    %get3A_21 = arith.constant 2 : index
    %get3A_22 = arith.constant 0 : index
    %get3A_23 = arith.constant 0 : index
    %get3A_24 = vector.load %arg27[%get3A_21, %get3A_22, %get3A_23] : memref<26x128x1024xf32, #tpu.memory_space<vmem>>, vector<1x128x1024xf32>
    %get3A_25 = vector.shape_cast %get3A_24 : vector<1x128x1024xf32> to vector<128x1024xf32>
    %dot_general3A_26 = arith.constant dense<0.000000e+00> : vector<128x1024xf32>
    %dot_general3A_27 = tpu.matmul %get3A_20, %get3A_25, %dot_general3A_26 {dimension_numbers = #tpu.dot_dimension_numbers<[1], [0], [0], [1], [0, 0, 1, 1], [], []>, transpose_lhs_hint = false} : vector<128x128xf32>, vector<128x1024xf32>, vector<128x1024xf32> -> vector<128x1024xf32>
    %add3A_28 = arith.addf %add3A, %dot_general3A_27 : vector<128x1024xf32>
    %get3A_29 = arith.constant 0 : index
    %get3A_30 = arith.constant 0 : index
    %get3A_31 = vector.load %arg4[%get3A_29, %get3A_30] : memref<128x128xf32, #tpu.memory_space<vmem>>, vector<128x128xf32>
    %get3A_32 = arith.constant 3 : index
    %get3A_33 = arith.constant 0 : index
    %get3A_34 = arith.constant 0 : index
    %get3A_35 = vector.load %arg27[%get3A_32, %get3A_33, %get3A_34] : memref<26x128x1024xf32, #tpu.memory_space<vmem>>, vector<1x128x1024xf32>
    %get3A_36 = vector.shape_cast %get3A_35 : vector<1x128x1024xf32> to vector<128x1024xf32>
    %dot_general3A_37 = arith.constant dense<0.000000e+00> : vector<128x1024xf32>
    %dot_general3A_38 = tpu.matmul %get3A_31, %get3A_36, %dot_general3A_37 {dimension_numbers = #tpu.dot_dimension_numbers<[1], [0], [0], [1], [0, 0, 1, 1], [], []>, transpose_lhs_hint = false} : vector<128x128xf32>, vector<128x1024xf32>, vector<128x1024xf32> -> vector<128x1024xf32>
    %add3A_39 = arith.addf %add3A_28, %dot_general3A_38 : vector<128x1024xf32>
    %get3A_40 = arith.constant 0 : index
    %get3A_41 = arith.constant 0 : index
    %get3A_42 = vector.load %arg5[%get3A_40, %get3A_41] : memref<128x128xf32, #tpu.memory_space<vmem>>, vector<128x128xf32>
    %get3A_43 = arith.constant 4 : index
    %get3A_44 = arith.constant 0 : index
    %get3A_45 = arith.constant 0 : index
    %get3A_46 = vector.load %arg27[%get3A_43, %get3A_44, %get3A_45] : memref<26x128x1024xf32, #tpu.memory_space<vmem>>, vector<1x128x1024xf32>
    %get3A_47 = vector.shape_cast %get3A_46 : vector<1x128x1024xf32> to vector<128x1024xf32>
    %dot_general3A_48 = arith.constant dense<0.000000e+00> : vector<128x1024xf32>
    %dot_general3A_49 = tpu.matmul %get3A_42, %get3A_47, %dot_general3A_48 {dimension_numbers = #tpu.dot_dimension_numbers<[1], [0], [0], [1], [0, 0, 1, 1], [], []>, transpose_lhs_hint = false} : vector<128x128xf32>, vector<128x1024xf32>, vector<128x1024xf32> -> vector<128x1024xf32>
    %add3A_50 = arith.addf %add3A_39, %dot_general3A_49 : vector<128x1024xf32>
    %get3A_51 = arith.constant 0 : index
    %get3A_52 = arith.constant 0 : index
    %get3A_53 = vector.load %arg6[%get3A_51, %get3A_52] : memref<128x128xf32, #tpu.memory_space<vmem>>, vector<128x128xf32>
    %get3A_54 = arith.constant 5 : index
    %get3A_55 = arith.constant 0 : index
    %get3A_56 = arith.constant 0 : index
    %get3A_57 = vector.load %arg27[%get3A_54, %get3A_55, %get3A_56] : memref<26x128x1024xf32, #tpu.memory_space<vmem>>, vector<1x128x1024xf32>
    %get3A_58 = vector.shape_cast %get3A_57 : vector<1x128x1024xf32> to vector<128x1024xf32>
    %dot_general3A_59 = arith.constant dense<0.000000e+00> : vector<128x1024xf32>
    %dot_general3A_60 = tpu.matmul %get3A_53, %get3A_58, %dot_general3A_59 {dimension_numbers = #tpu.dot_dimension_numbers<[1], [0], [0], [1], [0, 0, 1, 1], [], []>, transpose_lhs_hint = false} : vector<128x128xf32>, vector<128x1024xf32>, vector<128x1024xf32> -> vector<128x1024xf32>
    %add3A_61 = arith.addf %add3A_50, %dot_general3A_60 : vector<128x1024xf32>
    %get3A_62 = arith.constant 0 : index
    %get3A_63 = arith.constant 0 : index
    %get3A_64 = vector.load %arg7[%get3A_62, %get3A_63] : memref<128x128xf32, #tpu.memory_space<vmem>>, vector<128x128xf32>
    %get3A_65 = arith.constant 6 : index
    %get3A_66 = arith.constant 0 : index
    %get3A_67 = arith.constant 0 : index
    %get3A_68 = vector.load %arg27[%get3A_65, %get3A_66, %get3A_67] : memref<26x128x1024xf32, #tpu.memory_space<vmem>>, vector<1x128x1024xf32>
    %get3A_69 = vector.shape_cast %get3A_68 : vector<1x128x1024xf32> to vector<128x1024xf32>
    %dot_general3A_70 = arith.constant dense<0.000000e+00> : vector<128x1024xf32>
    %dot_general3A_71 = tpu.matmul %get3A_64, %get3A_69, %dot_general3A_70 {dimension_numbers = #tpu.dot_dimension_numbers<[1], [0], [0], [1], [0, 0, 1, 1], [], []>, transpose_lhs_hint = false} : vector<128x128xf32>, vector<128x1024xf32>, vector<128x1024xf32> -> vector<128x1024xf32>
    %add3A_72 = arith.addf %add3A_61, %dot_general3A_71 : vector<128x1024xf32>
    %get3A_73 = arith.constant 0 : index
    %get3A_74 = arith.constant 0 : index
    %get3A_75 = vector.load %arg8[%get3A_73, %get3A_74] : memref<128x128xf32, #tpu.memory_space<vmem>>, vector<128x128xf32>
    %get3A_76 = arith.constant 7 : index
    %get3A_77 = arith.constant 0 : index
    %get3A_78 = arith.constant 0 : index
    %get3A_79 = vector.load %arg27[%get3A_76, %get3A_77, %get3A_78] : memref<26x128x1024xf32, #tpu.memory_space<vmem>>, vector<1x128x1024xf32>
    %get3A_80 = vector.shape_cast %get3A_79 : vector<1x128x1024xf32> to vector<128x1024xf32>
    %dot_general3A_81 = arith.constant dense<0.000000e+00> : vector<128x1024xf32>
    %dot_general3A_82 = tpu.matmul %get3A_75, %get3A_80, %dot_general3A_81 {dimension_numbers = #tpu.dot_dimension_numbers<[1], [0], [0], [1], [0, 0, 1, 1], [], []>, transpose_lhs_hint = false} : vector<128x128xf32>, vector<128x1024xf32>, vector<128x1024xf32> -> vector<128x1024xf32>
    %add3A_83 = arith.addf %add3A_72, %dot_general3A_82 : vector<128x1024xf32>
    %get3A_84 = arith.constant 0 : index
    %get3A_85 = arith.constant 0 : index
    %get3A_86 = vector.load %arg9[%get3A_84, %get3A_85] : memref<128x128xf32, #tpu.memory_space<vmem>>, vector<128x128xf32>
    %get3A_87 = arith.constant 8 : index
    %get3A_88 = arith.constant 0 : index
    %get3A_89 = arith.constant 0 : index
    %get3A_90 = vector.load %arg27[%get3A_87, %get3A_88, %get3A_89] : memref<26x128x1024xf32, #tpu.memory_space<vmem>>, vector<1x128x1024xf32>
    %get3A_91 = vector.shape_cast %get3A_90 : vector<1x128x1024xf32> to vector<128x1024xf32>
    %dot_general3A_92 = arith.constant dense<0.000000e+00> : vector<128x1024xf32>
    %dot_general3A_93 = tpu.matmul %get3A_86, %get3A_91, %dot_general3A_92 {dimension_numbers = #tpu.dot_dimension_numbers<[1], [0], [0], [1], [0, 0, 1, 1], [], []>, transpose_lhs_hint = false} : vector<128x128xf32>, vector<128x1024xf32>, vector<128x1024xf32> -> vector<128x1024xf32>
    %add3A_94 = arith.addf %add3A_83, %dot_general3A_93 : vector<128x1024xf32>
    %get3A_95 = arith.constant 0 : index
    %get3A_96 = arith.constant 0 : index
    %get3A_97 = vector.load %arg10[%get3A_95, %get3A_96] : memref<128x128xf32, #tpu.memory_space<vmem>>, vector<128x128xf32>
    %get3A_98 = arith.constant 9 : index
    %get3A_99 = arith.constant 0 : index
    %get3A_100 = arith.constant 0 : index
    %get3A_101 = vector.load %arg27[%get3A_98, %get3A_99, %get3A_100] : memref<26x128x1024xf32, #tpu.memory_space<vmem>>, vector<1x128x1024xf32>
    %get3A_102 = vector.shape_cast %get3A_101 : vector<1x128x1024xf32> to vector<128x1024xf32>
    %dot_general3A_103 = arith.constant dense<0.000000e+00> : vector<128x1024xf32>
    %dot_general3A_104 = tpu.matmul %get3A_97, %get3A_102, %dot_general3A_103 {dimension_numbers = #tpu.dot_dimension_numbers<[1], [0], [0], [1], [0, 0, 1, 1], [], []>, transpose_lhs_hint = false} : vector<128x128xf32>, vector<128x1024xf32>, vector<128x1024xf32> -> vector<128x1024xf32>
    %add3A_105 = arith.addf %add3A_94, %dot_general3A_104 : vector<128x1024xf32>
    %get3A_106 = arith.constant 0 : index
    %get3A_107 = arith.constant 0 : index
    %get3A_108 = vector.load %arg11[%get3A_106, %get3A_107] : memref<128x128xf32, #tpu.memory_space<vmem>>, vector<128x128xf32>
    %get3A_109 = arith.constant 10 : index
    %get3A_110 = arith.constant 0 : index
    %get3A_111 = arith.constant 0 : index
    %get3A_112 = vector.load %arg27[%get3A_109, %get3A_110, %get3A_111] : memref<26x128x1024xf32, #tpu.memory_space<vmem>>, vector<1x128x1024xf32>
    %get3A_113 = vector.shape_cast %get3A_112 : vector<1x128x1024xf32> to vector<128x1024xf32>
    %dot_general3A_114 = arith.constant dense<0.000000e+00> : vector<128x1024xf32>
    %dot_general3A_115 = tpu.matmul %get3A_108, %get3A_113, %dot_general3A_114 {dimension_numbers = #tpu.dot_dimension_numbers<[1], [0], [0], [1], [0, 0, 1, 1], [], []>, transpose_lhs_hint = false} : vector<128x128xf32>, vector<128x1024xf32>, vector<128x1024xf32> -> vector<128x1024xf32>
    %add3A_116 = arith.addf %add3A_105, %dot_general3A_115 : vector<128x1024xf32>
    %get3A_117 = arith.constant 0 : index
    %get3A_118 = arith.constant 0 : index
    %get3A_119 = vector.load %arg12[%get3A_117, %get3A_118] : memref<128x128xf32, #tpu.memory_space<vmem>>, vector<128x128xf32>
    %get3A_120 = arith.constant 11 : index
    %get3A_121 = arith.constant 0 : index
    %get3A_122 = arith.constant 0 : index
    %get3A_123 = vector.load %arg27[%get3A_120, %get3A_121, %get3A_122] : memref<26x128x1024xf32, #tpu.memory_space<vmem>>, vector<1x128x1024xf32>
    %get3A_124 = vector.shape_cast %get3A_123 : vector<1x128x1024xf32> to vector<128x1024xf32>
    %dot_general3A_125 = arith.constant dense<0.000000e+00> : vector<128x1024xf32>
    %dot_general3A_126 = tpu.matmul %get3A_119, %get3A_124, %dot_general3A_125 {dimension_numbers = #tpu.dot_dimension_numbers<[1], [0], [0], [1], [0, 0, 1, 1], [], []>, transpose_lhs_hint = false} : vector<128x128xf32>, vector<128x1024xf32>, vector<128x1024xf32> -> vector<128x1024xf32>
    %add3A_127 = arith.addf %add3A_116, %dot_general3A_126 : vector<128x1024xf32>
    %get3A_128 = arith.constant 0 : index
    %get3A_129 = arith.constant 0 : index
    %get3A_130 = vector.load %arg13[%get3A_128, %get3A_129] : memref<128x128xf32, #tpu.memory_space<vmem>>, vector<128x128xf32>
    %get3A_131 = arith.constant 12 : index
    %get3A_132 = arith.constant 0 : index
    %get3A_133 = arith.constant 0 : index
    %get3A_134 = vector.load %arg27[%get3A_131, %get3A_132, %get3A_133] : memref<26x128x1024xf32, #tpu.memory_space<vmem>>, vector<1x128x1024xf32>
    %get3A_135 = vector.shape_cast %get3A_134 : vector<1x128x1024xf32> to vector<128x1024xf32>
    %dot_general3A_136 = arith.constant dense<0.000000e+00> : vector<128x1024xf32>
    %dot_general3A_137 = tpu.matmul %get3A_130, %get3A_135, %dot_general3A_136 {dimension_numbers = #tpu.dot_dimension_numbers<[1], [0], [0], [1], [0, 0, 1, 1], [], []>, transpose_lhs_hint = false} : vector<128x128xf32>, vector<128x1024xf32>, vector<128x1024xf32> -> vector<128x1024xf32>
    %add3A_138 = arith.addf %add3A_127, %dot_general3A_137 : vector<128x1024xf32>
    %get3A_139 = arith.constant 0 : index
    %get3A_140 = arith.constant 0 : index
    %get3A_141 = vector.load %arg14[%get3A_139, %get3A_140] : memref<128x128xf32, #tpu.memory_space<vmem>>, vector<128x128xf32>
    %get3A_142 = arith.constant 13 : index
    %get3A_143 = arith.constant 0 : index
    %get3A_144 = arith.constant 0 : index
    %get3A_145 = vector.load %arg27[%get3A_142, %get3A_143, %get3A_144] : memref<26x128x1024xf32, #tpu.memory_space<vmem>>, vector<1x128x1024xf32>
    %get3A_146 = vector.shape_cast %get3A_145 : vector<1x128x1024xf32> to vector<128x1024xf32>
    %dot_general3A_147 = arith.constant dense<0.000000e+00> : vector<128x1024xf32>
    %dot_general3A_148 = tpu.matmul %get3A_141, %get3A_146, %dot_general3A_147 {dimension_numbers = #tpu.dot_dimension_numbers<[1], [0], [0], [1], [0, 0, 1, 1], [], []>, transpose_lhs_hint = false} : vector<128x128xf32>, vector<128x1024xf32>, vector<128x1024xf32> -> vector<128x1024xf32>
    %add3A_149 = arith.addf %add3A_138, %dot_general3A_148 : vector<128x1024xf32>
    %get3A_150 = arith.constant 0 : index
    %get3A_151 = arith.constant 0 : index
    %get3A_152 = vector.load %arg15[%get3A_150, %get3A_151] : memref<128x128xf32, #tpu.memory_space<vmem>>, vector<128x128xf32>
    %get3A_153 = arith.constant 14 : index
    %get3A_154 = arith.constant 0 : index
    %get3A_155 = arith.constant 0 : index
    %get3A_156 = vector.load %arg27[%get3A_153, %get3A_154, %get3A_155] : memref<26x128x1024xf32, #tpu.memory_space<vmem>>, vector<1x128x1024xf32>
    %get3A_157 = vector.shape_cast %get3A_156 : vector<1x128x1024xf32> to vector<128x1024xf32>
    %dot_general3A_158 = arith.constant dense<0.000000e+00> : vector<128x1024xf32>
    %dot_general3A_159 = tpu.matmul %get3A_152, %get3A_157, %dot_general3A_158 {dimension_numbers = #tpu.dot_dimension_numbers<[1], [0], [0], [1], [0, 0, 1, 1], [], []>, transpose_lhs_hint = false} : vector<128x128xf32>, vector<128x1024xf32>, vector<128x1024xf32> -> vector<128x1024xf32>
    %add3A_160 = arith.addf %add3A_149, %dot_general3A_159 : vector<128x1024xf32>
    %get3A_161 = arith.constant 0 : index
    %get3A_162 = arith.constant 0 : index
    %get3A_163 = vector.load %arg16[%get3A_161, %get3A_162] : memref<128x128xf32, #tpu.memory_space<vmem>>, vector<128x128xf32>
    %get3A_164 = arith.constant 15 : index
    %get3A_165 = arith.constant 0 : index
    %get3A_166 = arith.constant 0 : index
    %get3A_167 = vector.load %arg27[%get3A_164, %get3A_165, %get3A_166] : memref<26x128x1024xf32, #tpu.memory_space<vmem>>, vector<1x128x1024xf32>
    %get3A_168 = vector.shape_cast %get3A_167 : vector<1x128x1024xf32> to vector<128x1024xf32>
    %dot_general3A_169 = arith.constant dense<0.000000e+00> : vector<128x1024xf32>
    %dot_general3A_170 = tpu.matmul %get3A_163, %get3A_168, %dot_general3A_169 {dimension_numbers = #tpu.dot_dimension_numbers<[1], [0], [0], [1], [0, 0, 1, 1], [], []>, transpose_lhs_hint = false} : vector<128x128xf32>, vector<128x1024xf32>, vector<128x1024xf32> -> vector<128x1024xf32>
    %add3A_171 = arith.addf %add3A_160, %dot_general3A_170 : vector<128x1024xf32>
    %get3A_172 = arith.constant 0 : index
    %get3A_173 = arith.constant 0 : index
    %get3A_174 = vector.load %arg17[%get3A_172, %get3A_173] : memref<128x128xf32, #tpu.memory_space<vmem>>, vector<128x128xf32>
    %get3A_175 = arith.constant 16 : index
    %get3A_176 = arith.constant 0 : index
    %get3A_177 = arith.constant 0 : index
    %get3A_178 = vector.load %arg27[%get3A_175, %get3A_176, %get3A_177] : memref<26x128x1024xf32, #tpu.memory_space<vmem>>, vector<1x128x1024xf32>
    %get3A_179 = vector.shape_cast %get3A_178 : vector<1x128x1024xf32> to vector<128x1024xf32>
    %dot_general3A_180 = arith.constant dense<0.000000e+00> : vector<128x1024xf32>
    %dot_general3A_181 = tpu.matmul %get3A_174, %get3A_179, %dot_general3A_180 {dimension_numbers = #tpu.dot_dimension_numbers<[1], [0], [0], [1], [0, 0, 1, 1], [], []>, transpose_lhs_hint = false} : vector<128x128xf32>, vector<128x1024xf32>, vector<128x1024xf32> -> vector<128x1024xf32>
    %add3A_182 = arith.addf %add3A_171, %dot_general3A_181 : vector<128x1024xf32>
    %get3A_183 = arith.constant 0 : index
    %get3A_184 = arith.constant 0 : index
    %get3A_185 = vector.load %arg18[%get3A_183, %get3A_184] : memref<128x128xf32, #tpu.memory_space<vmem>>, vector<128x128xf32>
    %get3A_186 = arith.constant 17 : index
    %get3A_187 = arith.constant 0 : index
    %get3A_188 = arith.constant 0 : index
    %get3A_189 = vector.load %arg27[%get3A_186, %get3A_187, %get3A_188] : memref<26x128x1024xf32, #tpu.memory_space<vmem>>, vector<1x128x1024xf32>
    %get3A_190 = vector.shape_cast %get3A_189 : vector<1x128x1024xf32> to vector<128x1024xf32>
    %dot_general3A_191 = arith.constant dense<0.000000e+00> : vector<128x1024xf32>
    %dot_general3A_192 = tpu.matmul %get3A_185, %get3A_190, %dot_general3A_191 {dimension_numbers = #tpu.dot_dimension_numbers<[1], [0], [0], [1], [0, 0, 1, 1], [], []>, transpose_lhs_hint = false} : vector<128x128xf32>, vector<128x1024xf32>, vector<128x1024xf32> -> vector<128x1024xf32>
    %add3A_193 = arith.addf %add3A_182, %dot_general3A_192 : vector<128x1024xf32>
    %get3A_194 = arith.constant 0 : index
    %get3A_195 = arith.constant 0 : index
    %get3A_196 = vector.load %arg19[%get3A_194, %get3A_195] : memref<128x128xf32, #tpu.memory_space<vmem>>, vector<128x128xf32>
    %get3A_197 = arith.constant 18 : index
    %get3A_198 = arith.constant 0 : index
    %get3A_199 = arith.constant 0 : index
    %get3A_200 = vector.load %arg27[%get3A_197, %get3A_198, %get3A_199] : memref<26x128x1024xf32, #tpu.memory_space<vmem>>, vector<1x128x1024xf32>
    %get3A_201 = vector.shape_cast %get3A_200 : vector<1x128x1024xf32> to vector<128x1024xf32>
    %dot_general3A_202 = arith.constant dense<0.000000e+00> : vector<128x1024xf32>
    %dot_general3A_203 = tpu.matmul %get3A_196, %get3A_201, %dot_general3A_202 {dimension_numbers = #tpu.dot_dimension_numbers<[1], [0], [0], [1], [0, 0, 1, 1], [], []>, transpose_lhs_hint = false} : vector<128x128xf32>, vector<128x1024xf32>, vector<128x1024xf32> -> vector<128x1024xf32>
    %add3A_204 = arith.addf %add3A_193, %dot_general3A_203 : vector<128x1024xf32>
    %get3A_205 = arith.constant 0 : index
    %get3A_206 = arith.constant 0 : index
    %get3A_207 = vector.load %arg20[%get3A_205, %get3A_206] : memref<128x128xf32, #tpu.memory_space<vmem>>, vector<128x128xf32>
    %get3A_208 = arith.constant 19 : index
    %get3A_209 = arith.constant 0 : index
    %get3A_210 = arith.constant 0 : index
    %get3A_211 = vector.load %arg27[%get3A_208, %get3A_209, %get3A_210] : memref<26x128x1024xf32, #tpu.memory_space<vmem>>, vector<1x128x1024xf32>
    %get3A_212 = vector.shape_cast %get3A_211 : vector<1x128x1024xf32> to vector<128x1024xf32>
    %dot_general3A_213 = arith.constant dense<0.000000e+00> : vector<128x1024xf32>
    %dot_general3A_214 = tpu.matmul %get3A_207, %get3A_212, %dot_general3A_213 {dimension_numbers = #tpu.dot_dimension_numbers<[1], [0], [0], [1], [0, 0, 1, 1], [], []>, transpose_lhs_hint = false} : vector<128x128xf32>, vector<128x1024xf32>, vector<128x1024xf32> -> vector<128x1024xf32>
    %add3A_215 = arith.addf %add3A_204, %dot_general3A_214 : vector<128x1024xf32>
    %get3A_216 = arith.constant 0 : index
    %get3A_217 = arith.constant 0 : index
    %get3A_218 = vector.load %arg21[%get3A_216, %get3A_217] : memref<128x128xf32, #tpu.memory_space<vmem>>, vector<128x128xf32>
    %get3A_219 = arith.constant 20 : index
    %get3A_220 = arith.constant 0 : index
    %get3A_221 = arith.constant 0 : index
    %get3A_222 = vector.load %arg27[%get3A_219, %get3A_220, %get3A_221] : memref<26x128x1024xf32, #tpu.memory_space<vmem>>, vector<1x128x1024xf32>
    %get3A_223 = vector.shape_cast %get3A_222 : vector<1x128x1024xf32> to vector<128x1024xf32>
    %dot_general3A_224 = arith.constant dense<0.000000e+00> : vector<128x1024xf32>
    %dot_general3A_225 = tpu.matmul %get3A_218, %get3A_223, %dot_general3A_224 {dimension_numbers = #tpu.dot_dimension_numbers<[1], [0], [0], [1], [0, 0, 1, 1], [], []>, transpose_lhs_hint = false} : vector<128x128xf32>, vector<128x1024xf32>, vector<128x1024xf32> -> vector<128x1024xf32>
    %add3A_226 = arith.addf %add3A_215, %dot_general3A_225 : vector<128x1024xf32>
    %get3A_227 = arith.constant 0 : index
    %get3A_228 = arith.constant 0 : index
    %get3A_229 = vector.load %arg22[%get3A_227, %get3A_228] : memref<128x128xf32, #tpu.memory_space<vmem>>, vector<128x128xf32>
    %get3A_230 = arith.constant 21 : index
    %get3A_231 = arith.constant 0 : index
    %get3A_232 = arith.constant 0 : index
    %get3A_233 = vector.load %arg27[%get3A_230, %get3A_231, %get3A_232] : memref<26x128x1024xf32, #tpu.memory_space<vmem>>, vector<1x128x1024xf32>
    %get3A_234 = vector.shape_cast %get3A_233 : vector<1x128x1024xf32> to vector<128x1024xf32>
    %dot_general3A_235 = arith.constant dense<0.000000e+00> : vector<128x1024xf32>
    %dot_general3A_236 = tpu.matmul %get3A_229, %get3A_234, %dot_general3A_235 {dimension_numbers = #tpu.dot_dimension_numbers<[1], [0], [0], [1], [0, 0, 1, 1], [], []>, transpose_lhs_hint = false} : vector<128x128xf32>, vector<128x1024xf32>, vector<128x1024xf32> -> vector<128x1024xf32>
    %add3A_237 = arith.addf %add3A_226, %dot_general3A_236 : vector<128x1024xf32>
    %get3A_238 = arith.constant 0 : index
    %get3A_239 = arith.constant 0 : index
    %get3A_240 = vector.load %arg23[%get3A_238, %get3A_239] : memref<128x128xf32, #tpu.memory_space<vmem>>, vector<128x128xf32>
    %get3A_241 = arith.constant 22 : index
    %get3A_242 = arith.constant 0 : index
    %get3A_243 = arith.constant 0 : index
    %get3A_244 = vector.load %arg27[%get3A_241, %get3A_242, %get3A_243] : memref<26x128x1024xf32, #tpu.memory_space<vmem>>, vector<1x128x1024xf32>
    %get3A_245 = vector.shape_cast %get3A_244 : vector<1x128x1024xf32> to vector<128x1024xf32>
    %dot_general3A_246 = arith.constant dense<0.000000e+00> : vector<128x1024xf32>
    %dot_general3A_247 = tpu.matmul %get3A_240, %get3A_245, %dot_general3A_246 {dimension_numbers = #tpu.dot_dimension_numbers<[1], [0], [0], [1], [0, 0, 1, 1], [], []>, transpose_lhs_hint = false} : vector<128x128xf32>, vector<128x1024xf32>, vector<128x1024xf32> -> vector<128x1024xf32>
    %add3A_248 = arith.addf %add3A_237, %dot_general3A_247 : vector<128x1024xf32>
    %get3A_249 = arith.constant 0 : index
    %get3A_250 = arith.constant 0 : index
    %get3A_251 = vector.load %arg24[%get3A_249, %get3A_250] : memref<128x128xf32, #tpu.memory_space<vmem>>, vector<128x128xf32>
    %get3A_252 = arith.constant 23 : index
    %get3A_253 = arith.constant 0 : index
    %get3A_254 = arith.constant 0 : index
    %get3A_255 = vector.load %arg27[%get3A_252, %get3A_253, %get3A_254] : memref<26x128x1024xf32, #tpu.memory_space<vmem>>, vector<1x128x1024xf32>
    %get3A_256 = vector.shape_cast %get3A_255 : vector<1x128x1024xf32> to vector<128x1024xf32>
    %dot_general3A_257 = arith.constant dense<0.000000e+00> : vector<128x1024xf32>
    %dot_general3A_258 = tpu.matmul %get3A_251, %get3A_256, %dot_general3A_257 {dimension_numbers = #tpu.dot_dimension_numbers<[1], [0], [0], [1], [0, 0, 1, 1], [], []>, transpose_lhs_hint = false} : vector<128x128xf32>, vector<128x1024xf32>, vector<128x1024xf32> -> vector<128x1024xf32>
    %add3A_259 = arith.addf %add3A_248, %dot_general3A_258 : vector<128x1024xf32>
    %get3A_260 = arith.constant 0 : index
    %get3A_261 = arith.constant 0 : index
    %get3A_262 = vector.load %arg25[%get3A_260, %get3A_261] : memref<128x128xf32, #tpu.memory_space<vmem>>, vector<128x128xf32>
    %get3A_263 = arith.constant 24 : index
    %get3A_264 = arith.constant 0 : index
    %get3A_265 = arith.constant 0 : index
    %get3A_266 = vector.load %arg27[%get3A_263, %get3A_264, %get3A_265] : memref<26x128x1024xf32, #tpu.memory_space<vmem>>, vector<1x128x1024xf32>
    %get3A_267 = vector.shape_cast %get3A_266 : vector<1x128x1024xf32> to vector<128x1024xf32>
    %dot_general3A_268 = arith.constant dense<0.000000e+00> : vector<128x1024xf32>
    %dot_general3A_269 = tpu.matmul %get3A_262, %get3A_267, %dot_general3A_268 {dimension_numbers = #tpu.dot_dimension_numbers<[1], [0], [0], [1], [0, 0, 1, 1], [], []>, transpose_lhs_hint = false} : vector<128x128xf32>, vector<128x1024xf32>, vector<128x1024xf32> -> vector<128x1024xf32>
    %add3A_270 = arith.addf %add3A_259, %dot_general3A_269 : vector<128x1024xf32>
    %get3A_271 = arith.constant 0 : index
    %get3A_272 = arith.constant 0 : index
    %get3A_273 = vector.load %arg26[%get3A_271, %get3A_272] : memref<128x128xf32, #tpu.memory_space<vmem>>, vector<128x128xf32>
    %get3A_274 = arith.constant 25 : index
    %get3A_275 = arith.constant 0 : index
    %get3A_276 = arith.constant 0 : index
    %get3A_277 = vector.load %arg27[%get3A_274, %get3A_275, %get3A_276] : memref<26x128x1024xf32, #tpu.memory_space<vmem>>, vector<1x128x1024xf32>
    %get3A_278 = vector.shape_cast %get3A_277 : vector<1x128x1024xf32> to vector<128x1024xf32>
    %dot_general3A_279 = arith.constant dense<0.000000e+00> : vector<128x1024xf32>
    %dot_general3A_280 = tpu.matmul %get3A_273, %get3A_278, %dot_general3A_279 {dimension_numbers = #tpu.dot_dimension_numbers<[1], [0], [0], [1], [0, 0, 1, 1], [], []>, transpose_lhs_hint = false} : vector<128x128xf32>, vector<128x1024xf32>, vector<128x1024xf32> -> vector<128x1024xf32>
    %add3A_281 = arith.addf %add3A_270, %dot_general3A_280 : vector<128x1024xf32>
    %get3A_282 = arith.constant 0 : index
    %get3A_283 = arith.constant 0 : index
    %get3A_284 = vector.load %arg28[%get3A_282, %get3A_283] : memref<1x1024xf32, #tpu.memory_space<vmem>>, vector<1x1024xf32>
    %add3A_285 = vector.broadcast %get3A_284 : vector<1x1024xf32> to vector<128x1024xf32>
    %add3A_286 = arith.addf %add3A_281, %add3A_285 : vector<128x1024xf32>
    %max3A = arith.constant 0.000000e+00 : f32
    %max3A_287 = vector.broadcast %max3A : f32 to vector<128x1024xf32>
    %max3A_288 = arith.maximumf %add3A_286, %max3A_287 : vector<128x1024xf32>
    %get3A_289 = arith.constant 0 : index
    %get3A_290 = arith.constant 0 : index
    %get3A_291 = vector.load %arg29[%get3A_289, %get3A_290] : memref<1024x4xf32, #tpu.memory_space<vmem>>, vector<1024x4xf32>
    %dot_general3A_292 = arith.constant dense<0.000000e+00> : vector<128x4xf32>
    %dot_general3A_293 = tpu.matmul %max3A_288, %get3A_291, %dot_general3A_292 {dimension_numbers = #tpu.dot_dimension_numbers<[1], [0], [0], [1], [0, 0, 1, 1], [], []>, transpose_lhs_hint = false} : vector<128x1024xf32>, vector<1024x4xf32>, vector<128x4xf32> -> vector<128x4xf32>
    %get3A_294 = arith.constant 0 : index
    %get3A_295 = arith.constant 0 : index
    %get3A_296 = vector.load %arg30[%get3A_294, %get3A_295] : memref<1x1xf32, #tpu.memory_space<vmem>>, vector<1x1xf32>
    %get3A_297 = vector.extract %get3A_296[0, 0] : f32 from vector<1x1xf32>
    %add3A_298 = vector.broadcast %get3A_297 : f32 to vector<128x4xf32>
    %add3A_299 = arith.addf %dot_general3A_293, %add3A_298 : vector<128x4xf32>
    %swap3A = arith.constant 0 : index
    %swap3A_300 = arith.constant 0 : index
    %swap3A_301 = vector.load %arg31[%swap3A, %swap3A_300] : memref<128x4xf32, #tpu.memory_space<vmem>>, vector<128x4xf32>
    tpu.vector_store %arg31[%swap3A, %swap3A_300], %add3A_299 {strides = array<i32>} : memref<128x4xf32, #tpu.memory_space<vmem>>, vector<128x4xf32>,
    return
  }
  func.func @transform_0(%arg0: i32) -> (i32, i32) {
    %add3A = arith.constant 0 : i32
    %add3A_0 = arith.addi %add3A, %arg0 : i32
    %c0_i32 = arith.constant 0 : i32
    %c0_i32_1 = arith.constant 0 : i32
    return %add3A_0, %c0_i32 : i32, i32
  }
  func.func @transform_1(%arg0: i32) -> (i32, i32) {
    %add3A = arith.constant 16 : i32
    %add3A_0 = arith.addi %add3A, %arg0 : i32
    %c0_i32 = arith.constant 0 : i32
    %c0_i32_1 = arith.constant 0 : i32
    return %add3A_0, %c0_i32 : i32, i32
  }
  func.func @transform_2(%arg0: i32) -> (i32, i32) {
    %add3A = arith.constant 32 : i32
    %add3A_0 = arith.addi %add3A, %arg0 : i32
    %c0_i32 = arith.constant 0 : i32
    %c0_i32_1 = arith.constant 0 : i32
    return %add3A_0, %c0_i32 : i32, i32
  }
  func.func @transform_3(%arg0: i32) -> (i32, i32) {
    %add3A = arith.constant 48 : i32
    %add3A_0 = arith.addi %add3A, %arg0 : i32
    %c0_i32 = arith.constant 0 : i32
    %c0_i32_1 = arith.constant 0 : i32
    return %add3A_0, %c0_i32 : i32, i32
  }
  func.func @transform_4(%arg0: i32) -> (i32, i32) {
    %add3A = arith.constant 64 : i32
    %add3A_0 = arith.addi %add3A, %arg0 : i32
    %c0_i32 = arith.constant 0 : i32
    %c0_i32_1 = arith.constant 0 : i32
    return %add3A_0, %c0_i32 : i32, i32
  }
  func.func @transform_5(%arg0: i32) -> (i32, i32) {
    %add3A = arith.constant 80 : i32
    %add3A_0 = arith.addi %add3A, %arg0 : i32
    %c0_i32 = arith.constant 0 : i32
    %c0_i32_1 = arith.constant 0 : i32
    return %add3A_0, %c0_i32 : i32, i32
  }
  func.func @transform_6(%arg0: i32) -> (i32, i32) {
    %add3A = arith.constant 96 : i32
    %add3A_0 = arith.addi %add3A, %arg0 : i32
    %c0_i32 = arith.constant 0 : i32
    %c0_i32_1 = arith.constant 0 : i32
    return %add3A_0, %c0_i32 : i32, i32
  }
  func.func @transform_7(%arg0: i32) -> (i32, i32) {
    %add3A = arith.constant 112 : i32
    %add3A_0 = arith.addi %add3A, %arg0 : i32
    %c0_i32 = arith.constant 0 : i32
    %c0_i32_1 = arith.constant 0 : i32
    return %add3A_0, %c0_i32 : i32, i32
  }
  func.func @transform_8(%arg0: i32) -> (i32, i32) {
    %add3A = arith.constant 128 : i32
    %add3A_0 = arith.addi %add3A, %arg0 : i32
    %c0_i32 = arith.constant 0 : i32
    %c0_i32_1 = arith.constant 0 : i32
    return %add3A_0, %c0_i32 : i32, i32
  }
  func.func @transform_9(%arg0: i32) -> (i32, i32) {
    %add3A = arith.constant 144 : i32
    %add3A_0 = arith.addi %add3A, %arg0 : i32
    %c0_i32 = arith.constant 0 : i32
    %c0_i32_1 = arith.constant 0 : i32
    return %add3A_0, %c0_i32 : i32, i32
  }
  func.func @transform_10(%arg0: i32) -> (i32, i32) {
    %add3A = arith.constant 160 : i32
    %add3A_0 = arith.addi %add3A, %arg0 : i32
    %c0_i32 = arith.constant 0 : i32
    %c0_i32_1 = arith.constant 0 : i32
    return %add3A_0, %c0_i32 : i32, i32
  }
  func.func @transform_11(%arg0: i32) -> (i32, i32) {
    %add3A = arith.constant 176 : i32
    %add3A_0 = arith.addi %add3A, %arg0 : i32
    %c0_i32 = arith.constant 0 : i32
    %c0_i32_1 = arith.constant 0 : i32
    return %add3A_0, %c0_i32 : i32, i32
  }
  func.func @transform_12(%arg0: i32) -> (i32, i32) {
    %add3A = arith.constant 192 : i32
    %add3A_0 = arith.addi %add3A, %arg0 : i32
    %c0_i32 = arith.constant 0 : i32
    %c0_i32_1 = arith.constant 0 : i32
    return %add3A_0, %c0_i32 : i32, i32
  }
  func.func @transform_13(%arg0: i32) -> (i32, i32) {
    %add3A = arith.constant 208 : i32
    %add3A_0 = arith.addi %add3A, %arg0 : i32
    %c0_i32 = arith.constant 0 : i32
    %c0_i32_1 = arith.constant 0 : i32
    return %add3A_0, %c0_i32 : i32, i32
  }
  func.func @transform_14(%arg0: i32) -> (i32, i32) {
    %add3A = arith.constant 224 : i32
    %add3A_0 = arith.addi %add3A, %arg0 : i32
    %c0_i32 = arith.constant 0 : i32
    %c0_i32_1 = arith.constant 0 : i32
    return %add3A_0, %c0_i32 : i32, i32
  }
  func.func @transform_15(%arg0: i32) -> (i32, i32) {
    %add3A = arith.constant 240 : i32
    %add3A_0 = arith.addi %add3A, %arg0 : i32
    %c0_i32 = arith.constant 0 : i32
    %c0_i32_1 = arith.constant 0 : i32
    return %add3A_0, %c0_i32 : i32, i32
  }
  func.func @transform_16(%arg0: i32) -> (i32, i32) {
    %add3A = arith.constant 256 : i32
    %add3A_0 = arith.addi %add3A, %arg0 : i32
    %c0_i32 = arith.constant 0 : i32
    %c0_i32_1 = arith.constant 0 : i32
    return %add3A_0, %c0_i32 : i32, i32
  }
  func.func @transform_17(%arg0: i32) -> (i32, i32) {
    %add3A = arith.constant 272 : i32
    %add3A_0 = arith.addi %add3A, %arg0 : i32
    %c0_i32 = arith.constant 0 : i32
    %c0_i32_1 = arith.constant 0 : i32
    return %add3A_0, %c0_i32 : i32, i32
  }
  func.func @transform_18(%arg0: i32) -> (i32, i32) {
    %add3A = arith.constant 288 : i32
    %add3A_0 = arith.addi %add3A, %arg0 : i32
    %c0_i32 = arith.constant 0 : i32
    %c0_i32_1 = arith.constant 0 : i32
    return %add3A_0, %c0_i32 : i32, i32
  }
  func.func @transform_19(%arg0: i32) -> (i32, i32) {
    %add3A = arith.constant 304 : i32
    %add3A_0 = arith.addi %add3A, %arg0 : i32
    %c0_i32 = arith.constant 0 : i32
    %c0_i32_1 = arith.constant 0 : i32
    return %add3A_0, %c0_i32 : i32, i32
  }
  func.func @transform_20(%arg0: i32) -> (i32, i32) {
    %add3A = arith.constant 320 : i32
    %add3A_0 = arith.addi %add3A, %arg0 : i32
    %c0_i32 = arith.constant 0 : i32
    %c0_i32_1 = arith.constant 0 : i32
    return %add3A_0, %c0_i32 : i32, i32
  }
  func.func @transform_21(%arg0: i32) -> (i32, i32) {
    %add3A = arith.constant 336 : i32
    %add3A_0 = arith.addi %add3A, %arg0 : i32
    %c0_i32 = arith.constant 0 : i32
    %c0_i32_1 = arith.constant 0 : i32
    return %add3A_0, %c0_i32 : i32, i32
  }
  func.func @transform_22(%arg0: i32) -> (i32, i32) {
    %add3A = arith.constant 352 : i32
    %add3A_0 = arith.addi %add3A, %arg0 : i32
    %c0_i32 = arith.constant 0 : i32
    %c0_i32_1 = arith.constant 0 : i32
    return %add3A_0, %c0_i32 : i32, i32
  }
  func.func @transform_23(%arg0: i32) -> (i32, i32) {
    %add3A = arith.constant 368 : i32
    %add3A_0 = arith.addi %add3A, %arg0 : i32
    %c0_i32 = arith.constant 0 : i32
    %c0_i32_1 = arith.constant 0 : i32
    return %add3A_0, %c0_i32 : i32, i32
  }
  func.func @transform_24(%arg0: i32) -> (i32, i32) {
    %add3A = arith.constant 384 : i32
    %add3A_0 = arith.addi %add3A, %arg0 : i32
    %c0_i32 = arith.constant 0 : i32
    %c0_i32_1 = arith.constant 0 : i32
    return %add3A_0, %c0_i32 : i32, i32
  }
  func.func @transform_25(%arg0: i32) -> (i32, i32) {
    %add3A = arith.constant 400 : i32
    %add3A_0 = arith.addi %add3A, %arg0 : i32
    %c0_i32 = arith.constant 0 : i32
    %c0_i32_1 = arith.constant 0 : i32
    return %add3A_0, %c0_i32 : i32, i32
  }
  func.func @transform_26(%arg0: i32) -> (i32, i32, i32) {
    %c0_i32 = arith.constant 0 : i32
    %c0_i32_0 = arith.constant 0 : i32
    %c0_i32_1 = arith.constant 0 : i32
    %c0_i32_2 = arith.constant 0 : i32
    return %c0_i32, %c0_i32_0, %c0_i32_1 : i32, i32, i32
  }
  func.func @transform_27(%arg0: i32) -> (i32, i32) {
    %c0_i32 = arith.constant 0 : i32
    %c0_i32_0 = arith.constant 0 : i32
    %c0_i32_1 = arith.constant 0 : i32
    return %c0_i32, %c0_i32_0 : i32, i32
  }
  func.func @transform_28(%arg0: i32) -> (i32, i32) {
    %c0_i32 = arith.constant 0 : i32
    %c0_i32_0 = arith.constant 0 : i32
    %c0_i32_1 = arith.constant 0 : i32
    return %c0_i32, %c0_i32_0 : i32, i32
  }
  func.func @transform_29(%arg0: i32) -> (i32, i32) {
    %c0_i32 = arith.constant 0 : i32
    %c0_i32_0 = arith.constant 0 : i32
    %c0_i32_1 = arith.constant 0 : i32
    return %c0_i32, %c0_i32_0 : i32, i32
  }
  func.func @transform_30(%arg0: i32) -> (i32, i32) {
    %c0_i32 = arith.constant 0 : i32
    %c0_i32_0 = arith.constant 0 : i32
    return %arg0, %c0_i32 : i32, i32
  }
}

</mosaic_0001>

<sc_bundles>
// kernel: kernel.11.cloned.1.call-start
scs
__scs_entry_jumppad:
0x0: {  	(pc) =	sbr.rel $0x88, $3  }
0x1: {  	(tag) =	ssettag $0x0;
	lr =	simm.s32 $0x1  }
0x2: {  	[smem:$0x3F9B] =	sst lr;
	_ =	strace $0xD0000000  }
0x3: {  	_ = 	snop  }
0x4: {  	_ = 	snop  }
0x5: {  	_ = 	snop  }
0x6: {  	_ = 	snop  }
0x7: {  	_ = 	snop  }
__scs_overlays_trampoline_lowered:
0x8: {  	[smem:$0x3FAA] =	sst s0  }
0x9: {  	[smem:$0x3FAB] =	sst s1  }
0xa: {  	[smem:$0x3FAC] =	sst s2  }
0xb: {  	[smem:$0x3FAD] =	sst s3  }
0xc: {  	[smem:$0x3FAE] =	sst s4  }
0xd: {  	[smem:$0x3FAF] =	sst s5  }
0xe: {  	[smem:$0x3FB0] =	sst s6  }
0xf: {  	[smem:$0x3FB1] =	sst s7  }
0x10: {  	[smem:$0x3FB2] =	sst s8  }
0x11: {  	[smem:$0x3FB3] =	sst s9;
	s0 =	simm.s32 @!p0 $0x0  }
0x12: {  	s1 =	sld [smem:$0x3F99];
	s0 =	simm.s32 @p0 $0x1  }
0x13: {  	[smem:$0x3FB4] =	sst s0;
	s0 =	simm.s32 @!p1 $0x0  }
0x14: {  	s2 =	sld [smem:$0x3F98];
	s0 =	simm.s32 @p1 $0x1  }
0x15: {  	[smem:$0x3FB5] =	sst s0;
	s0 =	simm.s32 @!p2 $0x0  }
0x16: {  	s3 =	sld [smem:$0x3FDB];
	s0 =	simm.s32 @p2 $0x1  }
0x17: {  	s4 =	simm.s32 $0x1BF5;
	[smem:$0x3FB7] =	sst s0  }
0x18: {  	s0 =	sld [smem:$0x3F9A];
	_ =	swait.ge [sflag:s4], $0x0  }
0x19: {  	s7 =	sld [smem:$0x3F9B]  }
0x1a: {  	s8 =	sadd.s32 $0xFFFFE003, lr  }
0x1b: {  	s9 =	sadd.s32 $0xFFFFFEF7, lr;
	s5 =	simm.s32 $0xFFFFFFFF;
	p2 =	slt.u32 s8, $0xFFFFF086  }
0x1c: {  	p1 =	slt.u32 s9, $0xF7A;
	s5 =	simm.s32 @!p2 $0x0  }
0x1d: {  	s5 =	simm.s32 @p1 $0x1;
	p0 =	seq.s32 s7, s2  }
0x1e: {  	s7 =	smul.u32 @!p0 $0xF7A, s2;
	p2 =	seq.s32 @!p0 s5, $0x0  }
0x1f: {  	s9 =	smul.u32 $0xF7A, s1;
	s8 =	simm.s32 @!p0 $0x1BF5;
	p2 =	por !p2, p0  }
0x20: {  	[sflag:s8] =	ssyncset.s32 @!p0 $0xFFFFF086;
	s6 =	sadd.s32 @!p0 s3, s7;
	s7 =	simm.s32 @!p0 $0x108  }
0x21: {  	s3 =	sadd.s32 s3, s9;
	s6 =	sadd.s32 @!p0 $0x88, s6;
	s7 =	simm.s32 @p2 $0x1082  }
0x22: {  	[simem:s7], [sflag:s8] =	dma.local @!p0 [hbm:s6], $0xF7A  }
0x23: {  	s9 =	sor.u32 $0xD0000000, s2;
	s6 =	simm.s32 $0x108;
	_ =	swait.ge @!p0 [sflag:s8], $0x0  }
0x24: {  	s3 =	sadd.s32 $0x88, s3;
	s6 =	simm.s32 @!p1 $0x1082;
	[sflag:s4] =	ssyncset.s32 $0xFFFFF086  }
0x25: {  	[simem:s6], [sflag:s4] =	dma.local [hbm:s3], $0xF7A  }
0x26: {  	[smem:$0x3F9B] =	sst s1;
	(tag) =	ssettag s2;
	_ =	strace s9  }
0x27: {  	s1 =	sld [smem:$0x3FAB]  }
0x28: {  	s2 =	sld [smem:$0x3FAC]  }
0x29: {  	s4 =	sld [smem:$0x3FAE]  }
0x2a: {  	p0 =	seq.s32 s5, $0x0;
	s5 =	sld [smem:$0x3FAF]  }
0x2b: {  	s6 =	sld [smem:$0x3FB0]  }
0x2c: {  	s7 =	sld [smem:$0x3FB1]  }
0x2d: {  	s3 =	simm.s32 $0x108;
	s8 =	sld [smem:$0x3FB2]  }
0x2e: {  	s3 =	simm.s32 @!p0 $0x1082;
	s9 =	sld [smem:$0x3FB3]  }
0x2f: {  	lr =	sadd.s32 s0, s3;
	s0 =	sld [smem:$0x3FAA]  }
0x30: {  	s3 =	sld [smem:$0x3FAD]  }
0x31: {  	[smem:$0x3FB6] =	sst s10  }
0x32: {  	s10 =	sld [smem:$0x3FB4];
	_ =	sdelay $0x3  }
0x33: {  	p0 =	seq.s32 s10, $0x1;
	s10 =	sld [smem:$0x3FB6];
	_ =	sdelay $0x3  }
0x34: {  	[smem:$0x3FB6] =	sst s10  }
0x35: {  	s10 =	sld [smem:$0x3FB5];
	_ =	sdelay $0x3  }
0x36: {  	p1 =	seq.s32 s10, $0x1;
	s10 =	sld [smem:$0x3FB6];
	_ =	sdelay $0x3  }
0x37: {  	[smem:$0x3FB6] =	sst s10  }
0x38: {  	s10 =	sld [smem:$0x3FB7]  }
0x39: {  	_ = 	snop;
	(pc) =	sbr.ind lr, $3  }
0x3a: {  	_ = 	snop  }
0x3b: {  	_ = 	snop  }
0x3c: {  	p2 =	seq.s32 s10, $0x1;
	s10 =	sld [smem:$0x3FB6]  }
0x3d: {  	_ =	shalt  }
0x3e: {  	_ =	shalt  }
0x3f: {  	_ =	shalt  }
0x40: {  	_ =	shalt  }
0x41: {  	_ =	shalt  }
0x42: {  	_ =	shalt  }
0x43: {  	_ =	shalt  }
0x44: {  	_ =	shalt  }
0x45: {  	_ =	shalt  }
0x46: {  	_ =	shalt  }
0x47: {  	_ =	shalt  }
0x48: {  	_ =	shalt  }
0x49: {  	_ =	shalt  }
0x4a: {  	_ =	shalt  }
0x4b: {  	_ =	shalt  }
0x4c: {  	_ =	shalt  }
0x4d: {  	_ =	shalt  }
0x4e: {  	_ =	shalt  }
0x4f: {  	_ =	shalt  }
0x50: {  	_ =	shalt  }
0x51: {  	_ =	shalt  }
0x52: {  	_ =	shalt  }
0x53: {  	_ =	shalt  }
0x54: {  	_ =	shalt  }
0x55: {  	_ =	shalt  }
0x56: {  	_ =	shalt  }
0x57: {  	_ =	shalt  }
0x58: {  	_ =	shalt  }
0x59: {  	_ =	shalt  }
0x5a: {  	_ =	shalt  }
0x5b: {  	_ =	shalt  }
0x5c: {  	_ =	shalt  }
0x5d: {  	_ =	shalt  }
0x5e: {  	_ =	shalt  }
0x5f: {  	_ =	shalt  }
0x60: {  	_ =	shalt  }
0x61: {  	_ =	shalt  }
0x62: {  	_ =	shalt  }
0x63: {  	_ =	shalt  }
0x64: {  	_ =	shalt  }
0x65: {  	_ =	shalt  }
0x66: {  	_ =	shalt  }
0x67: {  	_ =	shalt  }
0x68: {  	_ =	shalt  }
0x69: {  	_ =	shalt  }
0x6a: {  	_ =	shalt  }
0x6b: {  	_ =	shalt  }
0x6c: {  	_ =	shalt  }
0x6d: {  	_ =	shalt  }
0x6e: {  	_ =	shalt  }
0x6f: {  	_ =	shalt  }
0x70: {  	_ =	shalt  }
0x71: {  	_ =	shalt  }
0x72: {  	_ =	shalt  }
0x73: {  	_ =	shalt  }
0x74: {  	_ =	shalt  }
0x75: {  	_ =	shalt  }
0x76: {  	_ =	shalt  }
0x77: {  	_ =	shalt  }
0x78: {  	_ =	shalt  }
0x79: {  	_ =	shalt  }
0x7a: {  	_ =	shalt  }
0x7b: {  	_ =	shalt  }
0x7c: {  	_ =	shalt  }
0x7d: {  	_ =	shalt  }
0x7e: {  	_ =	shalt  }
0x7f: {  	_ =	shalt  }
0x80: {  	_ =	shalt  }
0x81: {  	_ =	shalt  }
0x82: {  	_ =	shalt  }
0x83: {  	_ =	shalt  }
0x84: {  	_ =	shalt  }
0x85: {  	_ =	shalt  }
0x86: {  	_ =	shalt  }
0x87: {  	_ =	shalt  }
.Lfunc_end0:
.L_simem_size_0:
called_computation.1_lowered:
.L_overlay_start_0:
0x88: {  	s2 =	sld [smem:$0x3FD9]  }
0x89: {  	s3 =	sld [smem:$0x3FFE];
	_ =	sdelay $0x1  }
0x8a: {  	s1 =	srdreg.scid  }
0x8b: {  	s0 =	sand.u32 $0x1, s1  }
0x8c: {  	s17 =	sshll.u32 s0, $0xA;
	s2 =	sadd.s32 s3, s2  }
0x8d: {  	s2 =	sadd.s32 s2, s17  }
0x8e: {  	[smem:$0x3FC2] =	sst s2  }
0x8f: {  	_ = 	snop  }
0x90: {  	(tm) =	ssettm $0x1  }
0x91: {  	s18 =	sld [smem:$0x3FFB];
	_ =	sdelay $0x3  }
0x92: {  	_ =	strace s18  }
0x93: {  	s2 =	sld [smem:$0x3FFC];
	_ =	sdelay $0x3  }
0x94: {  	_ =	strace s2  }
0x95: {  	s2 =	sld [smem:$0x3FFD];
	_ =	sdelay $0x3  }
0x96: {  	_ =	strace s2  }
0x97: {  	_ =	strace $0x8FFFFFFF  }
0x98: {  	s19 =	sld [smem:$0x3FDB];
	_ =	sdelay $0x1  }
0x99: {  	s20 =	simm.s32 $_scs_section_size  }
0x9a: {  	s4 =	simm.s32 $_size__tile_overlayer_lowered;
	s5 =	simm.s32 $_tile_overlayer_lowered  }
0x9b: {  	s6 =	simm.s32 $0x1BFF;
	s21 =	sshll.u32 s5, $0x1;
	s3 =	sadd.s32 s20, s19  }
0x9c: {  	s22 =	simm.s32 $0x0;
	s4 =	sshll.u32 s4, $0x1;
	s5 =	sadd.s32 s21, s3  }
0x9d: {  	[timem:s22], [sflag:s6] =	dma.local [hbm:s5], s4  }
0x9e: {  	_ =	swait.ge [sflag:s6], s4  }
0x9f: {  	s4 =	ssub.s32 $0x0, s4;
	[sflag:s6] =	ssyncset.done $0x0  }
0xa0: {  	[sflag:s6] =	ssyncadd.s32 s4;
	_ =	sdelay $0x1  }
0xa1: {  	s23 =	simm.s32 $0x1B8B  }
0xa2: {  	_ =	swait.ge [sflag:s23], $0x1  }
0xa3: {  	[sflag:s23] =	ssyncset.done $0x0  }
0xa4: {  	[sflag:s23] =	ssyncadd.s32 $0xFFFFFFFF  }
0xa5: {  	s4 =	sld [smem:$0x0]  }
0xa6: {  	s5 =	sand.u32 $0xFFFFFFFE, s1  }
0xa7: {  	p0 =	sne.s32 s1, s5  }
0xa8: {  	s5 =	sshll.u32 @p0 s5, $0xE  }
0xa9: {  	s5 =	sadd.s32 @p0 $0x11B8D, s5;
	s6 =	sshll.u32 @p0 s4, $0x11  }
0xaa: {  	s5 =	sor.u32 @p0 s6, s5  }
0xab: {  	[sflag:s5] =	ssyncadd.remote.s32 @p0 $0x1;
	_ =	sdelay $0x1  }
0xac: {  	s5 =	simm.s32 @p0 $0x1B8D  }
0xad: {  	_ =	swait.eq @p0 [sflag:s5], $0x1  }
0xae: {  	[sflag:s5] =	ssyncadd.s32 @p0 $0xFFFFFFFF  }
0xaf: {  	s6 =	sshll.u32 @!p0 s1, $0xE  }
0xb0: {  	s6 =	sor.u32 @!p0 $0x4000, s6;
	s5 =	simm.s32 @!p0 $0x1B8D  }
0xb1: {  	s4 =	sshll.u32 @!p0 s4, $0x11;
	s6 =	sadd.s32 @!p0 $0x11B8D, s6;
	_ =	swait.eq @!p0 [sflag:s5], $0x1  }
0xb2: {  	s4 =	sor.u32 @!p0 s4, s6;
	[sflag:s5] =	ssyncadd.s32 @!p0 $0xFFFFFFFF  }
0xb3: {  	s25 =	simm.s32 $0x1B8E;
	s24 =	sld [smem:$0x3FFE];
	[sflag:s4] =	ssyncadd.remote.s32 @!p0 $0x1  }
0xb4: {  	s26 =	simm.s32 $execute0_lowered;
	[smem:$0x3FD2] =	sst s25  }
0xb5: {  	s5 =	sshll.u32 s26, $0x1;
	_ =	strace $0x80000049;
	[dreg:$0x1] =	wrdreg $0xFFFFFFFF  }
0xb6: {  	s28 =	simm.s32 $_size_execute0_lowered;
	s3 =	sadd.s32 s3, s5;
	[dreg:$0x0] =	wrdreg $0x0  }
0xb7: {  	s5 =	sshll.u32 s28, $0x1;
	[dreg:$0x2] =	wrdreg s3  }
0xb8: {  	[dreg:$0x3] =	wrdreg s5  }
0xb9: {  	[dreg:$0x4] =	wrdreg $0xC0  }
0xba: {  	_ =	task [dreg:s22], $0x5FFFF  }
0xbb: {  	[dreg:$0x1] =	wrdreg $0xFFFFFFFF  }
0xbc: {  	[dreg:$0x0] =	wrdreg $0x60  }
0xbd: {  	[dreg:$0x2] =	wrdreg s24  }
0xbe: {  	[dreg:$0x3] =	wrdreg $0xA  }
0xbf: {  	_ =	task.clear_ibuf [dreg:s22], $0x4FFFF;
	_ =	strace $0x90000049  }
0xc0: {  	s29 =	simm.s32 $0xA;
	_ =	strace $0x8000004B  }
0xc1: {  	_ =	swait.ge [sflag:s29], $0x1  }
0xc2: {  	[sflag:s29] =	ssyncadd.s32 $0xFFFFFFFF  }
0xc3: {  	_ =	strace $0x9000004B  }
0xc4: {  	_ =	sfence  }
0xc5: {  	s30 =	sld [smem:$0x0];
	_ =	sdelay $0x2  }
0xc6: {  	s31 =	sshll.u32 s1, $0xD;
	s1 =	sshrl.u32 s1, $0x2  }
0xc7: {  	s4 =	sand.u32 $0x4000, s31;
	s1 =	sadd.s32 s1, s30  }
0xc8: {  	s0 =	sor.u32 s4, s0;
	s1 =	sshll.u32 s1, $0x11  }
0xc9: {  	s0 =	sor.u32 s1, s0  }
0xca: {  	s0 =	sadd.s32 $0x8F2B, s0  }
0xcb: {  	[sflag:s0] =	ssyncadd.remote.s32 $0x1  }
0xcc: {  	_ =	sfence.sel $0xFFFF  }
0xcd: {  	[dreg:$0x0] =	wrdreg $0xFFFFFFFF;
	(pc) =	sbr.abs _section_cstart, $3  }
0xce: {  	[dreg:$0x1] =	wrdreg $0xFFFFFFFF  }
0xcf: {  	_ =	task.clear_ibuf [dreg:s22], $0x2FFFF;
	_ =	strace $0x9FFFFFFF  }
0xd0: {  	(tm) =	ssettm $0x7FFFFFFF  }
0xd1: {  	_ =	shalt  }
tec
execute0_lowered:
.L_overlay_start_1:
0x0: {  	(tag) =	ssettag $0x1  }
0x1: {  	s3 =	rddreg [dreg:$0x0]  }
0x2: {  	s0 =	rddreg [dreg:$0x1];
	s1 =	stileid.u32  }
0x3: {  	s4 =	srdreg.scid;
	s5 =	smul.u32 $0x3400, s1  }
0x4: {  	s2 =	simm.s32 $0x0;
	s4 =	sand.u32 $0x1, s4;
	s29 =	smul.u32 $0xD000, s1  }
0x5: {  	[smem:$0x7FF] =	sst s2;
	s6 =	smul.u32 $0x1A00, s4  }
0x6: {  	_ =	strace $0x8000004A;
	s7 =	ssub.s32 $0x2, s4;
	s9 =	smul.u32 $0x6800, s4  }
0x7: {  	s8 =	sshrl.u32 s7, $0x1;
	s30 =	sadd.s32 s29, s3;
	s5 =	sadd.s32 s6, s5  }
0x8: {  	s31 =	ssub.s32 s7, s8;
	s7 =	simm.s32 $0x2;
	s5 =	sshrl.u32 s5, $0x3  }
0x9: {  	s8 =	simm.s32 $0x200;
	s4 =	smax.u32 s31, $0x1;
	s10 =	sadd.s32 s5, s3  }
0xa: {  	s3 =	sadd.s32 $0x1A00, s3;
	s5 =	sadd.s32 s9, s30;
	s9 =	simm.s32 $0x1  }
0xb: {  	s5 =	sadd.s32 $0x4B0C00, s5;
	s6 =	sadd.s32 $0x3D2400, s10;
	s10 =	simm.s32 $0x0  }
.LBB2_1:
0xc: {  	s11 =	sadd.s32 $0x0, s6  }
0xd: {  	[tilespmem:s2], [sflag:$0x2] =	stream.linear.gather [hbm4b:s11+s2], $0x200, $0x38;
	[tilespmem:$0x4200] =	vst v63  }
0xe: {  	_ =	swait.ge [sflag:s7], $0x200  }
0xf: {  	[sflag:s7] =	ssyncset.done $0x0  }
0x10: {  	[sflag:s7] =	ssyncadd.s32 $0xFFFFFE00  }
0x11: {  	[tilespmem:s8], [sflag:$0x1] =	stream.indirect.gather [hbm4b:s3+s8], $0x20, s2, s8, $0xb8;
	[tilespmem:$0x4200] =	vst v63  }
0x12: {  	_ =	swait.ge [sflag:s9], $0x4000  }
0x13: {  	[sflag:s9] =	ssyncset.done $0x0  }
0x14: {  	[sflag:s9] =	ssyncadd.s32 $0xFFFFC000  }
0x15: {  	[hbm4b:s5+s2] =	stream.linear.scatter [tilespmem:s8], [sflag:$0x2], $0x4000, $0x38;
	[tilespmem:$0x4200] =	vst v63  }
0x16: {  	s12 =	simm.s32 $0x40;
	_ =	swait.ge [sflag:s7], $0x4000  }
0x17: {  	s13 =	simm.s32 $0x80;
	s11 =	sadd.s32 $0x800, s5;
	[sflag:s7] =	ssyncset.done $0x0  }
.LBB2_2:
0x18: {  	s14 =	sadd.s32 s12, s6  }
0x19: {  	[sflag:s7] =	ssyncadd.s32 $0xFFFFC000;
	s12 =	smov.u32 s13;
	s15 =	sadd.s32 $0x40, s13  }
0x1a: {  	[tilespmem:s2], [sflag:$0x2] =	stream.linear.gather [hbm4b:s14+s2], $0x200, $0x38;
	[tilespmem:$0x4200] =	vst v63  }
0x1b: {  	p0 =	sne.s32 s13, $0x300;
	_ =	swait.ge [sflag:s7], $0x200  }
0x1c: {  	[sflag:s7] =	ssyncset.done $0x0  }
0x1d: {  	[sflag:s7] =	ssyncadd.s32 $0xFFFFFE00  }
0x1e: {  	[tilespmem:s8], [sflag:$0x1] =	stream.indirect.gather [hbm4b:s3+s8], $0x20, s2, s8, $0xb8;
	[tilespmem:$0x4200] =	vst v63  }
0x1f: {  	_ =	swait.ge [sflag:s9], $0x4000  }
.Ltmp0:
0x20: {  	[sflag:s9] =	ssyncset.done $0x0;
	(pc) =	sbr.rel @p0 .LBB2_2-.Ltmp0, $4  }
0x21: {  	[sflag:s9] =	ssyncadd.s32 $0xFFFFC000  }
0x22: {  	[hbm4b:s11+s2] =	stream.linear.scatter [tilespmem:s8], [sflag:$0x2], $0x4000, $0x38;
	[tilespmem:$0x4200] =	vst v63  }
0x23: {  	_ =	swait.ge [sflag:s7], $0x4000  }
0x24: {  	s13 =	smov.u32 s15;
	s11 =	sadd.s32 $0x800, s11;
	[sflag:s7] =	ssyncset.done $0x0  }
0x25: {  	s12 =	sadd.s32 s12, s6;
	[sflag:s7] =	ssyncadd.s32 $0xFFFFC000  }
0x26: {  	[tilespmem:s2], [sflag:$0x2] =	stream.linear.gather [hbm4b:s12+s2], $0x200, $0x38;
	[tilespmem:$0x4200] =	vst v63  }
0x27: {  	_ =	swait.ge [sflag:s7], $0x200  }
0x28: {  	[sflag:s7] =	ssyncset.done $0x0  }
0x29: {  	[sflag:s7] =	ssyncadd.s32 $0xFFFFFE00  }
0x2a: {  	[tilespmem:s8], [sflag:$0x1] =	stream.indirect.gather [hbm4b:s3+s8], $0x20, s2, s8, $0xb8;
	[tilespmem:$0x4200] =	vst v63  }
0x2b: {  	s10 =	sadd.s32 $0x1, s10;
	_ =	swait.ge [sflag:s9], $0x4000  }
0x2c: {  	p0 =	sne.s32 s10, s4;
	[sflag:s9] =	ssyncset.done $0x0  }
.Ltmp1:
0x2d: {  	[sflag:s9] =	ssyncadd.s32 $0xFFFFC000;
	(pc) =	sbr.rel @p0 .LBB2_1-.Ltmp1, $4  }
0x2e: {  	[hbm4b:s11+s2] =	stream.linear.scatter [tilespmem:s8], [sflag:$0x2], $0x4000, $0x38;
	[tilespmem:$0x4200] =	vst v63  }
0x2f: {  	_ =	swait.ge [sflag:s7], $0x4000  }
0x30: {  	[sflag:s7] =	ssyncset.done $0x0  }
0x31: {  	[sflag:s7] =	ssyncadd.s32 $0xFFFFC000  }
0x32: {  	_ =	sfence.sel $0x180000  }
0x33: {  	[bflag:$0x0] =	sbarrier.arrive $0xFFFF  }
0x34: {  	p0 =	sne.s32 s1, $0x0;
	_ =	strace $0x9000004A  }
0x35: {  	s0 =	sadd.s32 @!p0 $0x100000, s0;
	[bflag:$0x2] =	sbarrier.arrive $0xFFFF  }
0x36: {  	[sflag:s0] =	ssyncadd.tile.s32 @!p0 $0x1;
	_ =	shalt  }
.Lfunc_end2:
_tile_overlayer_lowered:
.L_overlay_start_2:
0x37: {  	(tag) =	ssettag $0x2  }
0x38: {  	s0 =	rddreg [dreg:$0x0];
	s2 =	stileid.u32  }
0x39: {  	s1 =	rddreg [dreg:$0x1];
	p0 =	sne.s32 s2, $0x0  }
0x3a: {  	s3 =	rddreg [dreg:$0x2];
	[bflag:$0x3] =	sbarrier.arrive $0xFFFF;
	s2 =	simm.s32 @!p0 $0x1C02  }
0x3b: {  	[timem:s3], [sflag:s2] =	dma.local @!p0 [hbm:s0], s1  }
0x3c: {  	s0 =	simm.s32 @!p0 $0x2  }
0x3d: {  	_ =	swait.ge @!p0 [sflag:s0], s1  }
0x3e: {  	s1 =	ssub.s32 @!p0 $0x0, s1;
	[sflag:s0] =	ssyncset.done @!p0 $0x0  }
0x3f: {  	[sflag:s0] =	ssyncadd.s32 @!p0 s1  }
0x40: {  	[bflag:$0x3] =	sbarrier.arrive $0xFFFF  }
0x41: {  	_ =	shalt  }

// kernel: kernel.8.cloned.1.call-start
scs
__scs_entry_jumppad:
0x0: {  	(pc) =	sbr.rel $0x88, $3  }
0x1: {  	(tag) =	ssettag $0x0;
	lr =	simm.s32 $0x1  }
0x2: {  	[smem:$0x3F9B] =	sst lr;
	_ =	strace $0xD0000000  }
0x3: {  	_ = 	snop  }
0x4: {  	_ = 	snop  }
0x5: {  	_ = 	snop  }
0x6: {  	_ = 	snop  }
0x7: {  	_ = 	snop  }
__scs_overlays_trampoline_lowered:
0x8: {  	[smem:$0x3FAA] =	sst s0  }
0x9: {  	[smem:$0x3FAB] =	sst s1  }
0xa: {  	[smem:$0x3FAC] =	sst s2  }
0xb: {  	[smem:$0x3FAD] =	sst s3  }
0xc: {  	[smem:$0x3FAE] =	sst s4  }
0xd: {  	[smem:$0x3FAF] =	sst s5  }
0xe: {  	[smem:$0x3FB0] =	sst s6  }
0xf: {  	[smem:$0x3FB1] =	sst s7  }
0x10: {  	[smem:$0x3FB2] =	sst s8  }
0x11: {  	[smem:$0x3FB3] =	sst s9;
	s0 =	simm.s32 @!p0 $0x0  }
0x12: {  	s1 =	sld [smem:$0x3F99];
	s0 =	simm.s32 @p0 $0x1  }
0x13: {  	[smem:$0x3FB4] =	sst s0;
	s0 =	simm.s32 @!p1 $0x0  }
0x14: {  	s2 =	sld [smem:$0x3F98];
	s0 =	simm.s32 @p1 $0x1  }
0x15: {  	[smem:$0x3FB5] =	sst s0;
	s0 =	simm.s32 @!p2 $0x0  }
0x16: {  	s3 =	sld [smem:$0x3FDB];
	s0 =	simm.s32 @p2 $0x1  }
0x17: {  	s4 =	simm.s32 $0x1BF5;
	[smem:$0x3FB7] =	sst s0  }
0x18: {  	s0 =	sld [smem:$0x3F9A];
	_ =	swait.ge [sflag:s4], $0x0  }
0x19: {  	s7 =	sld [smem:$0x3F9B]  }
0x1a: {  	s8 =	sadd.s32 $0xFFFFE003, lr  }
0x1b: {  	s9 =	sadd.s32 $0xFFFFFEF7, lr;
	s5 =	simm.s32 $0xFFFFFFFF;
	p2 =	slt.u32 s8, $0xFFFFF086  }
0x1c: {  	p1 =	slt.u32 s9, $0xF7A;
	s5 =	simm.s32 @!p2 $0x0  }
0x1d: {  	s5 =	simm.s32 @p1 $0x1;
	p0 =	seq.s32 s7, s2  }
0x1e: {  	s7 =	smul.u32 @!p0 $0xF7A, s2;
	p2 =	seq.s32 @!p0 s5, $0x0  }
0x1f: {  	s9 =	smul.u32 $0xF7A, s1;
	s8 =	simm.s32 @!p0 $0x1BF5;
	p2 =	por !p2, p0  }
0x20: {  	[sflag:s8] =	ssyncset.s32 @!p0 $0xFFFFF086;
	s6 =	sadd.s32 @!p0 s3, s7;
	s7 =	simm.s32 @!p0 $0x108  }
0x21: {  	s3 =	sadd.s32 s3, s9;
	s6 =	sadd.s32 @!p0 $0x88, s6;
	s7 =	simm.s32 @p2 $0x1082  }
0x22: {  	[simem:s7], [sflag:s8] =	dma.local @!p0 [hbm:s6], $0xF7A  }
0x23: {  	s9 =	sor.u32 $0xD0000000, s2;
	s6 =	simm.s32 $0x108;
	_ =	swait.ge @!p0 [sflag:s8], $0x0  }
0x24: {  	s3 =	sadd.s32 $0x88, s3;
	s6 =	simm.s32 @!p1 $0x1082;
	[sflag:s4] =	ssyncset.s32 $0xFFFFF086  }
0x25: {  	[simem:s6], [sflag:s4] =	dma.local [hbm:s3], $0xF7A  }
0x26: {  	[smem:$0x3F9B] =	sst s1;
	(tag) =	ssettag s2;
	_ =	strace s9  }
0x27: {  	s1 =	sld [smem:$0x3FAB]  }
0x28: {  	s2 =	sld [smem:$0x3FAC]  }
0x29: {  	s4 =	sld [smem:$0x3FAE]  }
0x2a: {  	p0 =	seq.s32 s5, $0x0;
	s5 =	sld [smem:$0x3FAF]  }
0x2b: {  	s6 =	sld [smem:$0x3FB0]  }
0x2c: {  	s7 =	sld [smem:$0x3FB1]  }
0x2d: {  	s3 =	simm.s32 $0x108;
	s8 =	sld [smem:$0x3FB2]  }
0x2e: {  	s3 =	simm.s32 @!p0 $0x1082;
	s9 =	sld [smem:$0x3FB3]  }
0x2f: {  	lr =	sadd.s32 s0, s3;
	s0 =	sld [smem:$0x3FAA]  }
0x30: {  	s3 =	sld [smem:$0x3FAD]  }
0x31: {  	[smem:$0x3FB6] =	sst s10  }
0x32: {  	s10 =	sld [smem:$0x3FB4];
	_ =	sdelay $0x3  }
0x33: {  	p0 =	seq.s32 s10, $0x1;
	s10 =	sld [smem:$0x3FB6];
	_ =	sdelay $0x3  }
0x34: {  	[smem:$0x3FB6] =	sst s10  }
0x35: {  	s10 =	sld [smem:$0x3FB5];
	_ =	sdelay $0x3  }
0x36: {  	p1 =	seq.s32 s10, $0x1;
	s10 =	sld [smem:$0x3FB6];
	_ =	sdelay $0x3  }
0x37: {  	[smem:$0x3FB6] =	sst s10  }
0x38: {  	s10 =	sld [smem:$0x3FB7]  }
0x39: {  	_ = 	snop;
	(pc) =	sbr.ind lr, $3  }
0x3a: {  	_ = 	snop  }
0x3b: {  	_ = 	snop  }
0x3c: {  	p2 =	seq.s32 s10, $0x1;
	s10 =	sld [smem:$0x3FB6]  }
0x3d: {  	_ =	shalt  }
0x3e: {  	_ =	shalt  }
0x3f: {  	_ =	shalt  }
0x40: {  	_ =	shalt  }
0x41: {  	_ =	shalt  }
0x42: {  	_ =	shalt  }
0x43: {  	_ =	shalt  }
0x44: {  	_ =	shalt  }
0x45: {  	_ =	shalt  }
0x46: {  	_ =	shalt  }
0x47: {  	_ =	shalt  }
0x48: {  	_ =	shalt  }
0x49: {  	_ =	shalt  }
0x4a: {  	_ =	shalt  }
0x4b: {  	_ =	shalt  }
0x4c: {  	_ =	shalt  }
0x4d: {  	_ =	shalt  }
0x4e: {  	_ =	shalt  }
0x4f: {  	_ =	shalt  }
0x50: {  	_ =	shalt  }
0x51: {  	_ =	shalt  }
0x52: {  	_ =	shalt  }
0x53: {  	_ =	shalt  }
0x54: {  	_ =	shalt  }
0x55: {  	_ =	shalt  }
0x56: {  	_ =	shalt  }
0x57: {  	_ =	shalt  }
0x58: {  	_ =	shalt  }
0x59: {  	_ =	shalt  }
0x5a: {  	_ =	shalt  }
0x5b: {  	_ =	shalt  }
0x5c: {  	_ =	shalt  }
0x5d: {  	_ =	shalt  }
0x5e: {  	_ =	shalt  }
0x5f: {  	_ =	shalt  }
0x60: {  	_ =	shalt  }
0x61: {  	_ =	shalt  }
0x62: {  	_ =	shalt  }
0x63: {  	_ =	shalt  }
0x64: {  	_ =	shalt  }
0x65: {  	_ =	shalt  }
0x66: {  	_ =	shalt  }
0x67: {  	_ =	shalt  }
0x68: {  	_ =	shalt  }
0x69: {  	_ =	shalt  }
0x6a: {  	_ =	shalt  }
0x6b: {  	_ =	shalt  }
0x6c: {  	_ =	shalt  }
0x6d: {  	_ =	shalt  }
0x6e: {  	_ =	shalt  }
0x6f: {  	_ =	shalt  }
0x70: {  	_ =	shalt  }
0x71: {  	_ =	shalt  }
0x72: {  	_ =	shalt  }
0x73: {  	_ =	shalt  }
0x74: {  	_ =	shalt  }
0x75: {  	_ =	shalt  }
0x76: {  	_ =	shalt  }
0x77: {  	_ =	shalt  }
0x78: {  	_ =	shalt  }
0x79: {  	_ =	shalt  }
0x7a: {  	_ =	shalt  }
0x7b: {  	_ =	shalt  }
0x7c: {  	_ =	shalt  }
0x7d: {  	_ =	shalt  }
0x7e: {  	_ =	shalt  }
0x7f: {  	_ =	shalt  }
0x80: {  	_ =	shalt  }
0x81: {  	_ =	shalt  }
0x82: {  	_ =	shalt  }
0x83: {  	_ =	shalt  }
0x84: {  	_ =	shalt  }
0x85: {  	_ =	shalt  }
0x86: {  	_ =	shalt  }
0x87: {  	_ =	shalt  }
.Lfunc_end0:
.L_simem_size_0:
called_computation_lowered:
.L_overlay_start_0:
0x88: {  	s2 =	sld [smem:$0x3FD9]  }
0x89: {  	s3 =	sld [smem:$0x3FFE];
	_ =	sdelay $0x1  }
0x8a: {  	s1 =	srdreg.scid  }
0x8b: {  	s0 =	sand.u32 $0x1, s1  }
0x8c: {  	s16 =	sshll.u32 s0, $0xA;
	s2 =	sadd.s32 s3, s2  }
0x8d: {  	s2 =	sadd.s32 s2, s16  }
0x8e: {  	[smem:$0x3FC2] =	sst s2  }
0x8f: {  	_ = 	snop  }
0x90: {  	(tm) =	ssettm $0x1  }
0x91: {  	s17 =	sld [smem:$0x3FFB];
	_ =	sdelay $0x3  }
0x92: {  	_ =	strace s17  }
0x93: {  	s2 =	sld [smem:$0x3FFC];
	_ =	sdelay $0x3  }
0x94: {  	_ =	strace s2  }
0x95: {  	s2 =	sld [smem:$0x3FFD];
	_ =	sdelay $0x3  }
0x96: {  	_ =	strace s2  }
0x97: {  	_ =	strace $0x8FFFFFFF  }
0x98: {  	s18 =	sld [smem:$0x3FDB];
	_ =	sdelay $0x1  }
0x99: {  	s19 =	simm.s32 $_scs_section_size  }
0x9a: {  	s4 =	simm.s32 $_size__tile_overlayer_lowered;
	s5 =	simm.s32 $_tile_overlayer_lowered  }
0x9b: {  	s22 =	simm.s32 $0x1BFF;
	s21 =	sshll.u32 s5, $0x1;
	s2 =	sadd.s32 s19, s18  }
0x9c: {  	s6 =	simm.s32 $0x0;
	s20 =	sshll.u32 s4, $0x1;
	s4 =	sadd.s32 s21, s2  }
0x9d: {  	[timem:s6], [sflag:s22] =	dma.local [hbm:s4], s20  }
0x9e: {  	_ =	swait.ge [sflag:s22], s20  }
0x9f: {  	s3 =	ssub.s32 $0x0, s20;
	[sflag:s22] =	ssyncset.done $0x0  }
0xa0: {  	[sflag:s22] =	ssyncadd.s32 s3;
	_ =	sdelay $0x1  }
0xa1: {  	s23 =	simm.s32 $0x1B8B  }
0xa2: {  	_ =	swait.ge [sflag:s23], $0x1  }
0xa3: {  	[sflag:s23] =	ssyncset.done $0x0  }
0xa4: {  	s25 =	simm.s32 $0x1B8E;
	s24 =	sld [smem:$0x3FFE];
	[sflag:s23] =	ssyncadd.s32 $0xFFFFFFFF  }
0xa5: {  	s26 =	simm.s32 $execute0_lowered;
	[smem:$0x3FD2] =	sst s25  }
0xa6: {  	s4 =	sshll.u32 s26, $0x1;
	_ =	strace $0x80000046;
	[dreg:$0x1] =	wrdreg $0xFFFFFFFF  }
0xa7: {  	s28 =	simm.s32 $_size_execute0_lowered;
	s2 =	sadd.s32 s2, s4;
	[dreg:$0x0] =	wrdreg $0x0  }
0xa8: {  	s4 =	sshll.u32 s28, $0x1;
	[dreg:$0x2] =	wrdreg s2  }
0xa9: {  	[dreg:$0x3] =	wrdreg s4  }
0xaa: {  	[dreg:$0x4] =	wrdreg $0xC0  }
0xab: {  	_ =	task [dreg:s6], $0x5FFFF  }
0xac: {  	[dreg:$0x1] =	wrdreg $0xFFFFFFFF  }
0xad: {  	[dreg:$0x0] =	wrdreg $0x60  }
0xae: {  	[dreg:$0x2] =	wrdreg s24  }
0xaf: {  	[dreg:$0x3] =	wrdreg $0x9  }
0xb0: {  	_ =	task.clear_ibuf [dreg:s6], $0x4FFFF;
	_ =	strace $0x90000046  }
0xb1: {  	s29 =	simm.s32 $0x9;
	_ =	strace $0x80000048  }
0xb2: {  	_ =	swait.ge [sflag:s29], $0x1  }
0xb3: {  	[sflag:s29] =	ssyncadd.s32 $0xFFFFFFFF  }
0xb4: {  	_ =	strace $0x90000048  }
0xb5: {  	_ =	sfence  }
0xb6: {  	s30 =	sld [smem:$0x0];
	_ =	sdelay $0x2  }
0xb7: {  	s31 =	sshll.u32 s1, $0xD;
	s1 =	sshrl.u32 s1, $0x2  }
0xb8: {  	s3 =	sand.u32 $0x4000, s31;
	s1 =	sadd.s32 s1, s30  }
0xb9: {  	s0 =	sor.u32 s3, s0;
	s1 =	sshll.u32 s1, $0x11  }
0xba: {  	s0 =	sor.u32 s1, s0  }
0xbb: {  	s0 =	sadd.s32 $0x8F2B, s0  }
0xbc: {  	[sflag:s0] =	ssyncadd.remote.s32 $0x1  }
0xbd: {  	_ =	sfence.sel $0xFFFF  }
0xbe: {  	[dreg:$0x0] =	wrdreg $0xFFFFFFFF;
	(pc) =	sbr.abs _section_cstart, $3  }
0xbf: {  	[dreg:$0x1] =	wrdreg $0xFFFFFFFF  }
0xc0: {  	_ =	task.clear_ibuf [dreg:s6], $0x2FFFF;
	_ =	strace $0x9FFFFFFF  }
0xc1: {  	(tm) =	ssettm $0x7FFFFFFF  }
tec
execute0_lowered:
.L_overlay_start_1:
0x0: {  	(tag) =	ssettag $0x1  }
0x1: {  	s3 =	rddreg [dreg:$0x0]  }
0x2: {  	s0 =	rddreg [dreg:$0x1];
	s1 =	stileid.u32  }
0x3: {  	s4 =	srdreg.scid;
	s5 =	smul.u32 $0x3400, s1  }
0x4: {  	s2 =	simm.s32 $0x0;
	s4 =	sand.u32 $0x1, s4;
	s29 =	smul.u32 $0xD000, s1  }
0x5: {  	[smem:$0x7FF] =	sst s2;
	s6 =	smul.u32 $0x1A00, s4  }
0x6: {  	_ =	strace $0x80000047;
	s7 =	ssub.s32 $0x2, s4;
	s9 =	smul.u32 $0x6800, s4  }
0x7: {  	s8 =	sshrl.u32 s7, $0x1;
	s30 =	sadd.s32 s29, s3;
	s5 =	sadd.s32 s6, s5  }
0x8: {  	s31 =	ssub.s32 s7, s8;
	s7 =	simm.s32 $0x2;
	s5 =	sshrl.u32 s5, $0x3  }
0x9: {  	s8 =	simm.s32 $0x200;
	s4 =	smax.u32 s31, $0x1;
	s10 =	sadd.s32 s5, s3  }
0xa: {  	s3 =	sadd.s32 $0x1A00, s3;
	s5 =	sadd.s32 s9, s30;
	s9 =	simm.s32 $0x1  }
0xb: {  	s5 =	sadd.s32 $0x3E0C00, s5;
	s6 =	sadd.s32 $0x3DA400, s10;
	s10 =	simm.s32 $0x0  }
.LBB2_1:
0xc: {  	s11 =	sadd.s32 $0x0, s6  }
0xd: {  	[tilespmem:s2], [sflag:$0x2] =	stream.linear.gather [hbm4b:s11+s2], $0x200, $0x38;
	[tilespmem:$0x4200] =	vst v63  }
0xe: {  	_ =	swait.ge [sflag:s7], $0x200  }
0xf: {  	[sflag:s7] =	ssyncset.done $0x0  }
0x10: {  	[sflag:s7] =	ssyncadd.s32 $0xFFFFFE00  }
0x11: {  	[tilespmem:s8], [sflag:$0x1] =	stream.indirect.gather [hbm4b:s3+s8], $0x20, s2, s8, $0xb8;
	[tilespmem:$0x4200] =	vst v63  }
0x12: {  	_ =	swait.ge [sflag:s9], $0x4000  }
0x13: {  	[sflag:s9] =	ssyncset.done $0x0  }
0x14: {  	[sflag:s9] =	ssyncadd.s32 $0xFFFFC000  }
0x15: {  	[hbm4b:s5+s2] =	stream.linear.scatter [tilespmem:s8], [sflag:$0x2], $0x4000, $0x38;
	[tilespmem:$0x4200] =	vst v63  }
0x16: {  	s12 =	simm.s32 $0x40;
	_ =	swait.ge [sflag:s7], $0x4000  }
0x17: {  	s13 =	simm.s32 $0x80;
	s11 =	sadd.s32 $0x800, s5;
	[sflag:s7] =	ssyncset.done $0x0  }
.LBB2_2:
0x18: {  	s14 =	sadd.s32 s12, s6  }
0x19: {  	[sflag:s7] =	ssyncadd.s32 $0xFFFFC000;
	s12 =	smov.u32 s13;
	s15 =	sadd.s32 $0x40, s13  }
0x1a: {  	[tilespmem:s2], [sflag:$0x2] =	stream.linear.gather [hbm4b:s14+s2], $0x200, $0x38;
	[tilespmem:$0x4200] =	vst v63  }
0x1b: {  	p0 =	sne.s32 s13, $0x300;
	_ =	swait.ge [sflag:s7], $0x200  }
0x1c: {  	[sflag:s7] =	ssyncset.done $0x0  }
0x1d: {  	[sflag:s7] =	ssyncadd.s32 $0xFFFFFE00  }
0x1e: {  	[tilespmem:s8], [sflag:$0x1] =	stream.indirect.gather [hbm4b:s3+s8], $0x20, s2, s8, $0xb8;
	[tilespmem:$0x4200] =	vst v63  }
0x1f: {  	_ =	swait.ge [sflag:s9], $0x4000  }
.Ltmp0:
0x20: {  	[sflag:s9] =	ssyncset.done $0x0;
	(pc) =	sbr.rel @p0 .LBB2_2-.Ltmp0, $4  }
0x21: {  	[sflag:s9] =	ssyncadd.s32 $0xFFFFC000  }
0x22: {  	[hbm4b:s11+s2] =	stream.linear.scatter [tilespmem:s8], [sflag:$0x2], $0x4000, $0x38;
	[tilespmem:$0x4200] =	vst v63  }
0x23: {  	_ =	swait.ge [sflag:s7], $0x4000  }
0x24: {  	s13 =	smov.u32 s15;
	s11 =	sadd.s32 $0x800, s11;
	[sflag:s7] =	ssyncset.done $0x0  }
0x25: {  	s12 =	sadd.s32 s12, s6;
	[sflag:s7] =	ssyncadd.s32 $0xFFFFC000  }
0x26: {  	[tilespmem:s2], [sflag:$0x2] =	stream.linear.gather [hbm4b:s12+s2], $0x200, $0x38;
	[tilespmem:$0x4200] =	vst v63  }
0x27: {  	_ =	swait.ge [sflag:s7], $0x200  }
0x28: {  	[sflag:s7] =	ssyncset.done $0x0  }
0x29: {  	[sflag:s7] =	ssyncadd.s32 $0xFFFFFE00  }
0x2a: {  	[tilespmem:s8], [sflag:$0x1] =	stream.indirect.gather [hbm4b:s3+s8], $0x20, s2, s8, $0xb8;
	[tilespmem:$0x4200] =	vst v63  }
0x2b: {  	s10 =	sadd.s32 $0x1, s10;
	_ =	swait.ge [sflag:s9], $0x4000  }
0x2c: {  	p0 =	sne.s32 s10, s4;
	[sflag:s9] =	ssyncset.done $0x0  }
.Ltmp1:
0x2d: {  	[sflag:s9] =	ssyncadd.s32 $0xFFFFC000;
	(pc) =	sbr.rel @p0 .LBB2_1-.Ltmp1, $4  }
0x2e: {  	[hbm4b:s11+s2] =	stream.linear.scatter [tilespmem:s8], [sflag:$0x2], $0x4000, $0x38;
	[tilespmem:$0x4200] =	vst v63  }
0x2f: {  	_ =	swait.ge [sflag:s7], $0x4000  }
0x30: {  	[sflag:s7] =	ssyncset.done $0x0  }
0x31: {  	[sflag:s7] =	ssyncadd.s32 $0xFFFFC000  }
0x32: {  	_ =	sfence.sel $0x180000  }
0x33: {  	[bflag:$0x0] =	sbarrier.arrive $0xFFFF  }
0x34: {  	p0 =	sne.s32 s1, $0x0;
	_ =	strace $0x90000047  }
0x35: {  	s0 =	sadd.s32 @!p0 $0x100000, s0;
	[bflag:$0x2] =	sbarrier.arrive $0xFFFF  }
0x36: {  	[sflag:s0] =	ssyncadd.tile.s32 @!p0 $0x1;
	_ =	shalt  }
.Lfunc_end2:
_tile_overlayer_lowered:
.L_overlay_start_2:
0x37: {  	(tag) =	ssettag $0x2  }
0x38: {  	s0 =	rddreg [dreg:$0x0];
	s2 =	stileid.u32  }
0x39: {  	s1 =	rddreg [dreg:$0x1];
	p0 =	sne.s32 s2, $0x0  }
0x3a: {  	s3 =	rddreg [dreg:$0x2];
	[bflag:$0x3] =	sbarrier.arrive $0xFFFF;
	s2 =	simm.s32 @!p0 $0x1C02  }
0x3b: {  	[timem:s3], [sflag:s2] =	dma.local @!p0 [hbm:s0], s1  }
0x3c: {  	s0 =	simm.s32 @!p0 $0x2  }
0x3d: {  	_ =	swait.ge @!p0 [sflag:s0], s1  }
0x3e: {  	s1 =	ssub.s32 @!p0 $0x0, s1;
	[sflag:s0] =	ssyncset.done @!p0 $0x0  }
0x3f: {  	[sflag:s0] =	ssyncadd.s32 @!p0 s1  }
0x40: {  	[bflag:$0x3] =	sbarrier.arrive $0xFFFF  }
0x41: {  	_ =	shalt  }

</sc_bundles>
